<compile_context>
chip_gen: v7x
topology: tpu7x:2x2x1
jax: 0.10.2.dev20260603
libtpu: 0.0.44.dev20260713+nightly
codegen_flags: <defaults>
</compile_context>

<pallas_src>
import functools

import jax
import jax.numpy as jnp
from jax import lax
from jax.experimental import pallas as pl
from jax.experimental.pallas import tpu as pltpu
from jax.experimental.pallas import tpu_sc as plsc

N = 320000
F_IN = 128
H = 128
C = 64
B = 10000

RE = 6400
NE = N // RE
NW = 32
TR = N // NW
CR = 80
NCHUNK = TR // CR
STRIPE = 640
NSUB = STRIPE // CR


def _embed_body(x_ref, sc_ref, w1_ref, out_ref):
    x = x_ref[...].astype(jnp.bfloat16)
    h = jnp.maximum(
        jnp.dot(x, w1_ref[...].astype(jnp.bfloat16),
                preferred_element_type=jnp.float32), 0.0)
    out_ref[...] = h * sc_ref[...]


def _embed(X, ppr_scores, W1):
    return pl.pallas_call(
        _embed_body,
        grid=(NE,),
        in_specs=[
            pl.BlockSpec((RE, F_IN), lambda i: (i, 0)),
            pl.BlockSpec((RE, 1), lambda i: (i, 0)),
            pl.BlockSpec((F_IN, H), lambda i: (0, 0)),
        ],
        out_specs=pl.BlockSpec((RE, H), lambda i: (i, 0)),
        out_shape=jax.ShapeDtypeStruct((N, H), jnp.float32),
        compiler_params=pltpu.CompilerParams(
            dimension_semantics=("parallel",),
        ),
    )(X, ppr_scores.reshape(N, 1), W1)


def _sc_segsum(E, idx):
    mesh = plsc.VectorSubcoreMesh(core_axis_name="c", subcore_axis_name="s")

    @functools.partial(
        pl.kernel,
        mesh=mesh,
        out_type=jax.ShapeDtypeStruct((2, B, H), jnp.float32),
        scratch_types=[
            pltpu.VMEM((CR, H), jnp.float32),
            pltpu.VMEM((CR,), jnp.int32),
            pltpu.VMEM_SHARED((B, H), jnp.float32),
        ],
    )
    def k(e_hbm, idx_hbm, out_hbm, rows_v, idx_v, acc_sh):
        cid = lax.axis_index("c")
        sid = lax.axis_index("s")
        wid = cid * 16 + sid
        base = wid * TR

        zv = jnp.zeros((16,), jnp.float32)

        def z1(i, carry):
            def z2(j, carry2):
                rows_v[i, pl.ds(j * 16, 16)] = zv
                return carry2
            return lax.fori_loop(0, H // 16, z2, carry)

        lax.fori_loop(0, CR, z1, 0)
        for j in range(NSUB):
            st = sid * STRIPE + j * CR

            @pl.when(st + CR <= B)
            def _z(st=st):
                pltpu.sync_copy(rows_v, acc_sh.at[pl.ds(st, CR)])

        plsc.subcore_barrier()

        def body(kk, carry):
            b = base + kk * CR
            pltpu.sync_copy(e_hbm.at[pl.ds(b, CR)], rows_v)
            pltpu.sync_copy(idx_hbm.at[pl.ds(b, CR)], idx_v)
            pltpu.sync_copy(rows_v, acc_sh.at[idx_v], add=True)
            return carry

        lax.fori_loop(0, NCHUNK, body, 0)
        plsc.subcore_barrier()

        for j in range(NSUB):
            st = sid * STRIPE + j * CR

            @pl.when(st + CR <= B)
            def _wb(st=st):
                pltpu.sync_copy(acc_sh.at[pl.ds(st, CR)], rows_v)
                pltpu.sync_copy(rows_v, out_hbm.at[cid, pl.ds(st, CR)])

    return k(E, idx)


def _logits_body(p_ref, w2_ref, w3_ref, w4_ref, out_ref):
    p = (p_ref[0] + p_ref[1]).astype(jnp.bfloat16)
    w23 = jnp.dot(w2_ref[...].astype(jnp.bfloat16),
                  w3_ref[...].astype(jnp.bfloat16),
                  preferred_element_type=jnp.float32).astype(jnp.bfloat16)
    h2 = jnp.maximum(jnp.dot(p, w23, preferred_element_type=jnp.float32),
                     0.0).astype(jnp.bfloat16)
    out_ref[...] = jnp.dot(h2, w4_ref[...].astype(jnp.bfloat16),
                           preferred_element_type=jnp.float32)


def _logits(partial, W2, W3, W4):
    return pl.pallas_call(
        _logits_body,
        out_shape=jax.ShapeDtypeStruct((B, C), jnp.float32),
    )(partial, W2, W3, W4)


def kernel(X, ppr_scores, ppr_idx, W1, W2, W3, W4):
    E = _embed(X, ppr_scores, W1)
    partial = _sc_segsum(E, ppr_idx)
    return _logits(partial, W2, W3, W4)

# --- scband reference (transcript-rebuilt; emitter-appended) ---
"""Pipeline reference for scband-pprgo-emmbedding-diffusions-59296318488772 (READ-ONLY COPY).

The authoritative reference and input builder live on the scoring server;
editing this copy changes nothing except your own understanding.
"""

import jax, jax.numpy as jnp
import numpy as np

N = 320000
F_IN = 128
H = 128
C = 64
B = 10000

def setup_inputs(seed: int = 0) -> dict:
    key = jax.random.key(seed)
    ks = jax.random.split(key, 8)
    X = jax.random.normal(ks[0], (N, F_IN), dtype=jnp.float32)
    ppr_scores = jax.random.uniform(ks[1], (N,), dtype=jnp.float32)
    ppr_idx = jnp.sort(jax.random.randint(ks[2], (N,), 0, B, dtype=jnp.int32))
    # Parameters (nlayers=4 -> mlp has 2 linear layers, mlp_logits has 2 linear layers; bias=False)
    W1 = jax.random.normal(ks[3], (F_IN, H), dtype=jnp.float32) * (1.0 / np.sqrt(F_IN))
    W2 = jax.random.normal(ks[4], (H, H), dtype=jnp.float32) * (1.0 / np.sqrt(H))
    W3 = jax.random.normal(ks[5], (H, H), dtype=jnp.float32) * (1.0 / np.sqrt(H))
    W4 = jax.random.normal(ks[6], (H, C), dtype=jnp.float32) * (1.0 / np.sqrt(H))
    return {"X": X, "ppr_scores": ppr_scores, "ppr_idx": ppr_idx, "W1": W1, "W2": W2, "W3": W3, "W4": W4}

def reference(X, ppr_scores, ppr_idx, W1, W2, W3, W4):
    # mlp: Linear(F_IN,H) -> ReLU -> Dropout(0.0) -> Linear(H,H)
    embedding = jnp.maximum(X @ W1, 0.0) @ W2
    # scatter-sum of ppr-weighted embeddings into batch segments
    num_segments = B
    propagated = jax.ops.segment_sum(embedding * ppr_scores[:, None], ppr_idx, num_segments=num_segments)
    # mlp_logits: Linear(H,H) -> ReLU -> Dropout(0.0) -> Linear(H,C)
    logits = jnp.maximum(propagated @ W3, 0.0) @ W4
    return logits

if __name__ == "__main__":
    import jax
    _d = setup_inputs()
    print(jax.jit(kernel)(*tuple(_d.values())))

</pallas_src>

<mosaic_0001>
#map = affine_map<(d0, d1) -> (0, 0)>
#map1 = affine_map<(d0, d1) -> (0)>
#map2 = affine_map<(d0, d1) -> (0, 0, 0)>
module attributes {stable_mosaic.version = 14 : i64} {
  func.func @k(%arg0: i32, %arg1: i32, %arg2: memref<320000x128xf32, #tpu.memory_space<hbm>>, %arg3: memref<320000xi32, #tpu.memory_space<hbm>>, %arg4: memref<2x10000x128xf32, #tpu.memory_space<hbm>>, %arg5: memref<80x128xf32, #tpu.memory_space<vmem>>, %arg6: memref<80xi32, #tpu.memory_space<vmem>>, %arg7: memref<10000x128xf32, #tpu.memory_space<vmem_shared>>) attributes {dimension_semantics = [#tpu.dimension_semantics<core_parallel>, #tpu.dimension_semantics<subcore_parallel>], iteration_bounds = array<i64: 2, 16>, scalar_prefetch = 0 : i64, scratch_operands = 3 : i64, tpu.core_type = #tpu.core_type<sc_vector_subcore>, window_params = [{transform_indices = #map}, {transform_indices = #map1}, {transform_indices = #map2}]} {
    %mul3A = arith.constant 16 : i32
    %mul3A_0 = arith.muli %arg0, %mul3A : i32
    %add3A = arith.addi %mul3A_0, %arg1 : i32
    %mul3A_1 = arith.constant 10000 : i32
    %mul3A_2 = arith.muli %add3A, %mul3A_1 : i32
    %broadcast_in_dim3A = arith.constant 0.000000e+00 : f32
    %broadcast_in_dim3A_3 = vector.broadcast %broadcast_in_dim3A : f32 to vector<16xf32>
    %scan3A = arith.constant 0 : i32
    %scan3A_4 = arith.constant 0 : i32
    %scan3A_5 = arith.constant 80 : i32
    %scan3A_6 = arith.addi %scan3A_4, %scan3A_5 : i32
    %scan3A_7 = arith.constant 1 : i32
    scf.for %scan3A_189 = %scan3A_4 to %scan3A_6 step %scan3A_7  : i32 {
      %scan3A_190 = arith.constant 0 : i32
      %scan3A_191 = arith.constant 8 : i32
      %scan3A_192 = arith.addi %scan3A_190, %scan3A_191 : i32
      %scan3A_193 = arith.constant 1 : i32
      scf.for %scan3A_195 = %scan3A_190 to %scan3A_192 step %scan3A_193  : i32 {
        %mul3A_196 = arith.constant 16 : i32
        %mul3A_197 = arith.muli %scan3A_195, %mul3A_196 : i32
        %swap3A = arith.index_cast %scan3A_189 : i32 to index
        %swap3A_198 = arith.index_cast %mul3A_197 : i32 to index
        %swap3A_199 = tpu.vector_load %arg5[%swap3A, %swap3A_198] {strides = array<i32>} : memref<80x128xf32, #tpu.memory_space<vmem>>, vector<1x16xf32>,
        %swap3A_200 = vector.shape_cast %swap3A_199 : vector<1x16xf32> to vector<16xf32>
        %swap3A_201 = vector.shape_cast %broadcast_in_dim3A_3 : vector<16xf32> to vector<1x16xf32>
        tpu.vector_store %arg5[%swap3A, %swap3A_198], %swap3A_201 {strides = array<i32>} : memref<80x128xf32, #tpu.memory_space<vmem>>, vector<1x16xf32>,
      }
      %scan3A_194 = arith.constant 8 : i32
    }
    %scan3A_8 = arith.constant 80 : i32
    %mul3A_9 = arith.constant 640 : i32
    %mul3A_10 = arith.muli %arg1, %mul3A_9 : i32
    %add3A_11 = arith.constant 0 : i32
    %add3A_12 = arith.addi %mul3A_10, %add3A_11 : i32
    %add3A_13 = arith.constant 80 : i32
    %add3A_14 = arith.addi %add3A_12, %add3A_13 : i32
    %le3A = arith.constant 10000 : i32
    %le3A_15 = arith.cmpi sle, %add3A_14, %le3A : i32
    %convert_element_type3A = arith.extui %le3A_15 : i1 to i32
    %cond3A = arith.constant 0 : i32
    %cond3A_16 = arith.cmpi ne, %convert_element_type3A, %cond3A : i32
    scf.if %cond3A_16 {
      "tpu.region"() ({
        %run_scoped3A = tpu.sem_alloc : memref<!tpu.dma_semaphore, #tpu.memory_space<semaphore_mem>>
        %dma_start3A = arith.constant 0 : i32
        %dma_start3A_189 = tpu.memref_slice %arg7[%add3A_12, %dma_start3A] : memref<10000x128xf32, #tpu.memory_space<vmem_shared>> -> memref<80x128xf32, #tpu.memory_space<vmem_shared>>
        %dma_start3A_190 = arith.constant 0 : i32
        %dma_start3A_191 = tpu.memref_slice %arg7[%add3A_12, %dma_start3A_190] : memref<10000x128xf32, #tpu.memory_space<vmem_shared>> -> memref<80x128xf32, #tpu.memory_space<vmem_shared>>
        tpu.enqueue_dma source(%arg5 : memref<80x128xf32, #tpu.memory_space<vmem>>) target(%dma_start3A_191 : memref<80x128xf32, #tpu.memory_space<vmem_shared>>) target_semaphore(%run_scoped3A : memref<!tpu.dma_semaphore, #tpu.memory_space<semaphore_mem>>)
        %dma_wait3A = arith.constant 0 : i32
        %dma_wait3A_192 = tpu.memref_slice %arg7[%add3A_12, %dma_wait3A] : memref<10000x128xf32, #tpu.memory_space<vmem_shared>> -> memref<80x128xf32, #tpu.memory_space<vmem_shared>>
        %dma_wait3A_193 = arith.constant 0 : i32
        %dma_wait3A_194 = tpu.memref_slice %arg7[%add3A_12, %dma_wait3A_193] : memref<10000x128xf32, #tpu.memory_space<vmem_shared>> -> memref<80x128xf32, #tpu.memory_space<vmem_shared>>
        tpu.wait_dma2 semaphore(%run_scoped3A : memref<!tpu.dma_semaphore, #tpu.memory_space<semaphore_mem>>) src(%arg5 : memref<80x128xf32, #tpu.memory_space<vmem>>) dst(%dma_wait3A_194 : memref<80x128xf32, #tpu.memory_space<vmem_shared>>)
        tpu.yield
      }) : () -> ()
    } else {
    }
    %mul3A_17 = arith.constant 640 : i32
    %mul3A_18 = arith.muli %arg1, %mul3A_17 : i32
    %add3A_19 = arith.constant 80 : i32
    %add3A_20 = arith.addi %mul3A_18, %add3A_19 : i32
    %add3A_21 = arith.constant 80 : i32
    %add3A_22 = arith.addi %add3A_20, %add3A_21 : i32
    %le3A_23 = arith.constant 10000 : i32
    %le3A_24 = arith.cmpi sle, %add3A_22, %le3A_23 : i32
    %convert_element_type3A_25 = arith.extui %le3A_24 : i1 to i32
    %cond3A_26 = arith.constant 0 : i32
    %cond3A_27 = arith.cmpi ne, %convert_element_type3A_25, %cond3A_26 : i32
    scf.if %cond3A_27 {
      "tpu.region"() ({
        %run_scoped3A = tpu.sem_alloc : memref<!tpu.dma_semaphore, #tpu.memory_space<semaphore_mem>>
        %dma_start3A = arith.constant 0 : i32
        %dma_start3A_189 = tpu.memref_slice %arg7[%add3A_20, %dma_start3A] : memref<10000x128xf32, #tpu.memory_space<vmem_shared>> -> memref<80x128xf32, #tpu.memory_space<vmem_shared>>
        %dma_start3A_190 = arith.constant 0 : i32
        %dma_start3A_191 = tpu.memref_slice %arg7[%add3A_20, %dma_start3A_190] : memref<10000x128xf32, #tpu.memory_space<vmem_shared>> -> memref<80x128xf32, #tpu.memory_space<vmem_shared>>
        tpu.enqueue_dma source(%arg5 : memref<80x128xf32, #tpu.memory_space<vmem>>) target(%dma_start3A_191 : memref<80x128xf32, #tpu.memory_space<vmem_shared>>) target_semaphore(%run_scoped3A : memref<!tpu.dma_semaphore, #tpu.memory_space<semaphore_mem>>)
        %dma_wait3A = arith.constant 0 : i32
        %dma_wait3A_192 = tpu.memref_slice %arg7[%add3A_20, %dma_wait3A] : memref<10000x128xf32, #tpu.memory_space<vmem_shared>> -> memref<80x128xf32, #tpu.memory_space<vmem_shared>>
        %dma_wait3A_193 = arith.constant 0 : i32
        %dma_wait3A_194 = tpu.memref_slice %arg7[%add3A_20, %dma_wait3A_193] : memref<10000x128xf32, #tpu.memory_space<vmem_shared>> -> memref<80x128xf32, #tpu.memory_space<vmem_shared>>
        tpu.wait_dma2 semaphore(%run_scoped3A : memref<!tpu.dma_semaphore, #tpu.memory_space<semaphore_mem>>) src(%arg5 : memref<80x128xf32, #tpu.memory_space<vmem>>) dst(%dma_wait3A_194 : memref<80x128xf32, #tpu.memory_space<vmem_shared>>)
        tpu.yield
      }) : () -> ()
    } else {
    }
    %mul3A_28 = arith.constant 640 : i32
    %mul3A_29 = arith.muli %arg1, %mul3A_28 : i32
    %add3A_30 = arith.constant 160 : i32
    %add3A_31 = arith.addi %mul3A_29, %add3A_30 : i32
    %add3A_32 = arith.constant 80 : i32
    %add3A_33 = arith.addi %add3A_31, %add3A_32 : i32
    %le3A_34 = arith.constant 10000 : i32
    %le3A_35 = arith.cmpi sle, %add3A_33, %le3A_34 : i32
    %convert_element_type3A_36 = arith.extui %le3A_35 : i1 to i32
    %cond3A_37 = arith.constant 0 : i32
    %cond3A_38 = arith.cmpi ne, %convert_element_type3A_36, %cond3A_37 : i32
    scf.if %cond3A_38 {
      "tpu.region"() ({
        %run_scoped3A = tpu.sem_alloc : memref<!tpu.dma_semaphore, #tpu.memory_space<semaphore_mem>>
        %dma_start3A = arith.constant 0 : i32
        %dma_start3A_189 = tpu.memref_slice %arg7[%add3A_31, %dma_start3A] : memref<10000x128xf32, #tpu.memory_space<vmem_shared>> -> memref<80x128xf32, #tpu.memory_space<vmem_shared>>
        %dma_start3A_190 = arith.constant 0 : i32
        %dma_start3A_191 = tpu.memref_slice %arg7[%add3A_31, %dma_start3A_190] : memref<10000x128xf32, #tpu.memory_space<vmem_shared>> -> memref<80x128xf32, #tpu.memory_space<vmem_shared>>
        tpu.enqueue_dma source(%arg5 : memref<80x128xf32, #tpu.memory_space<vmem>>) target(%dma_start3A_191 : memref<80x128xf32, #tpu.memory_space<vmem_shared>>) target_semaphore(%run_scoped3A : memref<!tpu.dma_semaphore, #tpu.memory_space<semaphore_mem>>)
        %dma_wait3A = arith.constant 0 : i32
        %dma_wait3A_192 = tpu.memref_slice %arg7[%add3A_31, %dma_wait3A] : memref<10000x128xf32, #tpu.memory_space<vmem_shared>> -> memref<80x128xf32, #tpu.memory_space<vmem_shared>>
        %dma_wait3A_193 = arith.constant 0 : i32
        %dma_wait3A_194 = tpu.memref_slice %arg7[%add3A_31, %dma_wait3A_193] : memref<10000x128xf32, #tpu.memory_space<vmem_shared>> -> memref<80x128xf32, #tpu.memory_space<vmem_shared>>
        tpu.wait_dma2 semaphore(%run_scoped3A : memref<!tpu.dma_semaphore, #tpu.memory_space<semaphore_mem>>) src(%arg5 : memref<80x128xf32, #tpu.memory_space<vmem>>) dst(%dma_wait3A_194 : memref<80x128xf32, #tpu.memory_space<vmem_shared>>)
        tpu.yield
      }) : () -> ()
    } else {
    }
    %mul3A_39 = arith.constant 640 : i32
    %mul3A_40 = arith.muli %arg1, %mul3A_39 : i32
    %add3A_41 = arith.constant 240 : i32
    %add3A_42 = arith.addi %mul3A_40, %add3A_41 : i32
    %add3A_43 = arith.constant 80 : i32
    %add3A_44 = arith.addi %add3A_42, %add3A_43 : i32
    %le3A_45 = arith.constant 10000 : i32
    %le3A_46 = arith.cmpi sle, %add3A_44, %le3A_45 : i32
    %convert_element_type3A_47 = arith.extui %le3A_46 : i1 to i32
    %cond3A_48 = arith.constant 0 : i32
    %cond3A_49 = arith.cmpi ne, %convert_element_type3A_47, %cond3A_48 : i32
    scf.if %cond3A_49 {
      "tpu.region"() ({
        %run_scoped3A = tpu.sem_alloc : memref<!tpu.dma_semaphore, #tpu.memory_space<semaphore_mem>>
        %dma_start3A = arith.constant 0 : i32
        %dma_start3A_189 = tpu.memref_slice %arg7[%add3A_42, %dma_start3A] : memref<10000x128xf32, #tpu.memory_space<vmem_shared>> -> memref<80x128xf32, #tpu.memory_space<vmem_shared>>
        %dma_start3A_190 = arith.constant 0 : i32
        %dma_start3A_191 = tpu.memref_slice %arg7[%add3A_42, %dma_start3A_190] : memref<10000x128xf32, #tpu.memory_space<vmem_shared>> -> memref<80x128xf32, #tpu.memory_space<vmem_shared>>
        tpu.enqueue_dma source(%arg5 : memref<80x128xf32, #tpu.memory_space<vmem>>) target(%dma_start3A_191 : memref<80x128xf32, #tpu.memory_space<vmem_shared>>) target_semaphore(%run_scoped3A : memref<!tpu.dma_semaphore, #tpu.memory_space<semaphore_mem>>)
        %dma_wait3A = arith.constant 0 : i32
        %dma_wait3A_192 = tpu.memref_slice %arg7[%add3A_42, %dma_wait3A] : memref<10000x128xf32, #tpu.memory_space<vmem_shared>> -> memref<80x128xf32, #tpu.memory_space<vmem_shared>>
        %dma_wait3A_193 = arith.constant 0 : i32
        %dma_wait3A_194 = tpu.memref_slice %arg7[%add3A_42, %dma_wait3A_193] : memref<10000x128xf32, #tpu.memory_space<vmem_shared>> -> memref<80x128xf32, #tpu.memory_space<vmem_shared>>
        tpu.wait_dma2 semaphore(%run_scoped3A : memref<!tpu.dma_semaphore, #tpu.memory_space<semaphore_mem>>) src(%arg5 : memref<80x128xf32, #tpu.memory_space<vmem>>) dst(%dma_wait3A_194 : memref<80x128xf32, #tpu.memory_space<vmem_shared>>)
        tpu.yield
      }) : () -> ()
    } else {
    }
    %mul3A_50 = arith.constant 640 : i32
    %mul3A_51 = arith.muli %arg1, %mul3A_50 : i32
    %add3A_52 = arith.constant 320 : i32
    %add3A_53 = arith.addi %mul3A_51, %add3A_52 : i32
    %add3A_54 = arith.constant 80 : i32
    %add3A_55 = arith.addi %add3A_53, %add3A_54 : i32
    %le3A_56 = arith.constant 10000 : i32
    %le3A_57 = arith.cmpi sle, %add3A_55, %le3A_56 : i32
    %convert_element_type3A_58 = arith.extui %le3A_57 : i1 to i32
    %cond3A_59 = arith.constant 0 : i32
    %cond3A_60 = arith.cmpi ne, %convert_element_type3A_58, %cond3A_59 : i32
    scf.if %cond3A_60 {
      "tpu.region"() ({
        %run_scoped3A = tpu.sem_alloc : memref<!tpu.dma_semaphore, #tpu.memory_space<semaphore_mem>>
        %dma_start3A = arith.constant 0 : i32
        %dma_start3A_189 = tpu.memref_slice %arg7[%add3A_53, %dma_start3A] : memref<10000x128xf32, #tpu.memory_space<vmem_shared>> -> memref<80x128xf32, #tpu.memory_space<vmem_shared>>
        %dma_start3A_190 = arith.constant 0 : i32
        %dma_start3A_191 = tpu.memref_slice %arg7[%add3A_53, %dma_start3A_190] : memref<10000x128xf32, #tpu.memory_space<vmem_shared>> -> memref<80x128xf32, #tpu.memory_space<vmem_shared>>
        tpu.enqueue_dma source(%arg5 : memref<80x128xf32, #tpu.memory_space<vmem>>) target(%dma_start3A_191 : memref<80x128xf32, #tpu.memory_space<vmem_shared>>) target_semaphore(%run_scoped3A : memref<!tpu.dma_semaphore, #tpu.memory_space<semaphore_mem>>)
        %dma_wait3A = arith.constant 0 : i32
        %dma_wait3A_192 = tpu.memref_slice %arg7[%add3A_53, %dma_wait3A] : memref<10000x128xf32, #tpu.memory_space<vmem_shared>> -> memref<80x128xf32, #tpu.memory_space<vmem_shared>>
        %dma_wait3A_193 = arith.constant 0 : i32
        %dma_wait3A_194 = tpu.memref_slice %arg7[%add3A_53, %dma_wait3A_193] : memref<10000x128xf32, #tpu.memory_space<vmem_shared>> -> memref<80x128xf32, #tpu.memory_space<vmem_shared>>
        tpu.wait_dma2 semaphore(%run_scoped3A : memref<!tpu.dma_semaphore, #tpu.memory_space<semaphore_mem>>) src(%arg5 : memref<80x128xf32, #tpu.memory_space<vmem>>) dst(%dma_wait3A_194 : memref<80x128xf32, #tpu.memory_space<vmem_shared>>)
        tpu.yield
      }) : () -> ()
    } else {
    }
    %mul3A_61 = arith.constant 640 : i32
    %mul3A_62 = arith.muli %arg1, %mul3A_61 : i32
    %add3A_63 = arith.constant 400 : i32
    %add3A_64 = arith.addi %mul3A_62, %add3A_63 : i32
    %add3A_65 = arith.constant 80 : i32
    %add3A_66 = arith.addi %add3A_64, %add3A_65 : i32
    %le3A_67 = arith.constant 10000 : i32
    %le3A_68 = arith.cmpi sle, %add3A_66, %le3A_67 : i32
    %convert_element_type3A_69 = arith.extui %le3A_68 : i1 to i32
    %cond3A_70 = arith.constant 0 : i32
    %cond3A_71 = arith.cmpi ne, %convert_element_type3A_69, %cond3A_70 : i32
    scf.if %cond3A_71 {
      "tpu.region"() ({
        %run_scoped3A = tpu.sem_alloc : memref<!tpu.dma_semaphore, #tpu.memory_space<semaphore_mem>>
        %dma_start3A = arith.constant 0 : i32
        %dma_start3A_189 = tpu.memref_slice %arg7[%add3A_64, %dma_start3A] : memref<10000x128xf32, #tpu.memory_space<vmem_shared>> -> memref<80x128xf32, #tpu.memory_space<vmem_shared>>
        %dma_start3A_190 = arith.constant 0 : i32
        %dma_start3A_191 = tpu.memref_slice %arg7[%add3A_64, %dma_start3A_190] : memref<10000x128xf32, #tpu.memory_space<vmem_shared>> -> memref<80x128xf32, #tpu.memory_space<vmem_shared>>
        tpu.enqueue_dma source(%arg5 : memref<80x128xf32, #tpu.memory_space<vmem>>) target(%dma_start3A_191 : memref<80x128xf32, #tpu.memory_space<vmem_shared>>) target_semaphore(%run_scoped3A : memref<!tpu.dma_semaphore, #tpu.memory_space<semaphore_mem>>)
        %dma_wait3A = arith.constant 0 : i32
        %dma_wait3A_192 = tpu.memref_slice %arg7[%add3A_64, %dma_wait3A] : memref<10000x128xf32, #tpu.memory_space<vmem_shared>> -> memref<80x128xf32, #tpu.memory_space<vmem_shared>>
        %dma_wait3A_193 = arith.constant 0 : i32
        %dma_wait3A_194 = tpu.memref_slice %arg7[%add3A_64, %dma_wait3A_193] : memref<10000x128xf32, #tpu.memory_space<vmem_shared>> -> memref<80x128xf32, #tpu.memory_space<vmem_shared>>
        tpu.wait_dma2 semaphore(%run_scoped3A : memref<!tpu.dma_semaphore, #tpu.memory_space<semaphore_mem>>) src(%arg5 : memref<80x128xf32, #tpu.memory_space<vmem>>) dst(%dma_wait3A_194 : memref<80x128xf32, #tpu.memory_space<vmem_shared>>)
        tpu.yield
      }) : () -> ()
    } else {
    }
    %mul3A_72 = arith.constant 640 : i32
    %mul3A_73 = arith.muli %arg1, %mul3A_72 : i32
    %add3A_74 = arith.constant 480 : i32
    %add3A_75 = arith.addi %mul3A_73, %add3A_74 : i32
    %add3A_76 = arith.constant 80 : i32
    %add3A_77 = arith.addi %add3A_75, %add3A_76 : i32
    %le3A_78 = arith.constant 10000 : i32
    %le3A_79 = arith.cmpi sle, %add3A_77, %le3A_78 : i32
    %convert_element_type3A_80 = arith.extui %le3A_79 : i1 to i32
    %cond3A_81 = arith.constant 0 : i32
    %cond3A_82 = arith.cmpi ne, %convert_element_type3A_80, %cond3A_81 : i32
    scf.if %cond3A_82 {
      "tpu.region"() ({
        %run_scoped3A = tpu.sem_alloc : memref<!tpu.dma_semaphore, #tpu.memory_space<semaphore_mem>>
        %dma_start3A = arith.constant 0 : i32
        %dma_start3A_189 = tpu.memref_slice %arg7[%add3A_75, %dma_start3A] : memref<10000x128xf32, #tpu.memory_space<vmem_shared>> -> memref<80x128xf32, #tpu.memory_space<vmem_shared>>
        %dma_start3A_190 = arith.constant 0 : i32
        %dma_start3A_191 = tpu.memref_slice %arg7[%add3A_75, %dma_start3A_190] : memref<10000x128xf32, #tpu.memory_space<vmem_shared>> -> memref<80x128xf32, #tpu.memory_space<vmem_shared>>
        tpu.enqueue_dma source(%arg5 : memref<80x128xf32, #tpu.memory_space<vmem>>) target(%dma_start3A_191 : memref<80x128xf32, #tpu.memory_space<vmem_shared>>) target_semaphore(%run_scoped3A : memref<!tpu.dma_semaphore, #tpu.memory_space<semaphore_mem>>)
        %dma_wait3A = arith.constant 0 : i32
        %dma_wait3A_192 = tpu.memref_slice %arg7[%add3A_75, %dma_wait3A] : memref<10000x128xf32, #tpu.memory_space<vmem_shared>> -> memref<80x128xf32, #tpu.memory_space<vmem_shared>>
        %dma_wait3A_193 = arith.constant 0 : i32
        %dma_wait3A_194 = tpu.memref_slice %arg7[%add3A_75, %dma_wait3A_193] : memref<10000x128xf32, #tpu.memory_space<vmem_shared>> -> memref<80x128xf32, #tpu.memory_space<vmem_shared>>
        tpu.wait_dma2 semaphore(%run_scoped3A : memref<!tpu.dma_semaphore, #tpu.memory_space<semaphore_mem>>) src(%arg5 : memref<80x128xf32, #tpu.memory_space<vmem>>) dst(%dma_wait3A_194 : memref<80x128xf32, #tpu.memory_space<vmem_shared>>)
        tpu.yield
      }) : () -> ()
    } else {
    }
    %mul3A_83 = arith.constant 640 : i32
    %mul3A_84 = arith.muli %arg1, %mul3A_83 : i32
    %add3A_85 = arith.constant 560 : i32
    %add3A_86 = arith.addi %mul3A_84, %add3A_85 : i32
    %add3A_87 = arith.constant 80 : i32
    %add3A_88 = arith.addi %add3A_86, %add3A_87 : i32
    %le3A_89 = arith.constant 10000 : i32
    %le3A_90 = arith.cmpi sle, %add3A_88, %le3A_89 : i32
    %convert_element_type3A_91 = arith.extui %le3A_90 : i1 to i32
    %cond3A_92 = arith.constant 0 : i32
    %cond3A_93 = arith.cmpi ne, %convert_element_type3A_91, %cond3A_92 : i32
    scf.if %cond3A_93 {
      "tpu.region"() ({
        %run_scoped3A = tpu.sem_alloc : memref<!tpu.dma_semaphore, #tpu.memory_space<semaphore_mem>>
        %dma_start3A = arith.constant 0 : i32
        %dma_start3A_189 = tpu.memref_slice %arg7[%add3A_86, %dma_start3A] : memref<10000x128xf32, #tpu.memory_space<vmem_shared>> -> memref<80x128xf32, #tpu.memory_space<vmem_shared>>
        %dma_start3A_190 = arith.constant 0 : i32
        %dma_start3A_191 = tpu.memref_slice %arg7[%add3A_86, %dma_start3A_190] : memref<10000x128xf32, #tpu.memory_space<vmem_shared>> -> memref<80x128xf32, #tpu.memory_space<vmem_shared>>
        tpu.enqueue_dma source(%arg5 : memref<80x128xf32, #tpu.memory_space<vmem>>) target(%dma_start3A_191 : memref<80x128xf32, #tpu.memory_space<vmem_shared>>) target_semaphore(%run_scoped3A : memref<!tpu.dma_semaphore, #tpu.memory_space<semaphore_mem>>)
        %dma_wait3A = arith.constant 0 : i32
        %dma_wait3A_192 = tpu.memref_slice %arg7[%add3A_86, %dma_wait3A] : memref<10000x128xf32, #tpu.memory_space<vmem_shared>> -> memref<80x128xf32, #tpu.memory_space<vmem_shared>>
        %dma_wait3A_193 = arith.constant 0 : i32
        %dma_wait3A_194 = tpu.memref_slice %arg7[%add3A_86, %dma_wait3A_193] : memref<10000x128xf32, #tpu.memory_space<vmem_shared>> -> memref<80x128xf32, #tpu.memory_space<vmem_shared>>
        tpu.wait_dma2 semaphore(%run_scoped3A : memref<!tpu.dma_semaphore, #tpu.memory_space<semaphore_mem>>) src(%arg5 : memref<80x128xf32, #tpu.memory_space<vmem>>) dst(%dma_wait3A_194 : memref<80x128xf32, #tpu.memory_space<vmem_shared>>)
        tpu.yield
      }) : () -> ()
    } else {
    }
    %barrier3A = arith.constant 0 : index
    tpu.barrier barrier_id(%barrier3A)
    %scan3A_94 = arith.constant 0 : i32
    %scan3A_95 = arith.constant 0 : i32
    %scan3A_96 = arith.constant 125 : i32
    %scan3A_97 = arith.addi %scan3A_95, %scan3A_96 : i32
    %scan3A_98 = arith.constant 1 : i32
    scf.for %scan3A_189 = %scan3A_95 to %scan3A_97 step %scan3A_98  : i32 {
      %mul3A_190 = arith.constant 80 : i32
      %mul3A_191 = arith.muli %scan3A_189, %mul3A_190 : i32
      %add3A_192 = arith.addi %mul3A_2, %mul3A_191 : i32
      "tpu.region"() ({
        %run_scoped3A = tpu.sem_alloc : memref<!tpu.dma_semaphore, #tpu.memory_space<semaphore_mem>>
        %dma_start3A = arith.constant 0 : i32
        %dma_start3A_193 = tpu.memref_slice %arg2[%add3A_192, %dma_start3A] : memref<320000x128xf32, #tpu.memory_space<hbm>> -> memref<80x128xf32, #tpu.memory_space<hbm>>
        %dma_start3A_194 = arith.constant 0 : i32
        %dma_start3A_195 = tpu.memref_slice %arg2[%add3A_192, %dma_start3A_194] : memref<320000x128xf32, #tpu.memory_space<hbm>> -> memref<80x128xf32, #tpu.memory_space<hbm>>
        tpu.enqueue_dma source(%dma_start3A_195 : memref<80x128xf32, #tpu.memory_space<hbm>>) target(%arg5 : memref<80x128xf32, #tpu.memory_space<vmem>>) target_semaphore(%run_scoped3A : memref<!tpu.dma_semaphore, #tpu.memory_space<semaphore_mem>>)
        %dma_wait3A = arith.constant 0 : i32
        %dma_wait3A_196 = tpu.memref_slice %arg2[%add3A_192, %dma_wait3A] : memref<320000x128xf32, #tpu.memory_space<hbm>> -> memref<80x128xf32, #tpu.memory_space<hbm>>
        %dma_wait3A_197 = arith.constant 0 : i32
        %dma_wait3A_198 = tpu.memref_slice %arg2[%add3A_192, %dma_wait3A_197] : memref<320000x128xf32, #tpu.memory_space<hbm>> -> memref<80x128xf32, #tpu.memory_space<hbm>>
        tpu.wait_dma2 semaphore(%run_scoped3A : memref<!tpu.dma_semaphore, #tpu.memory_space<semaphore_mem>>) src(%dma_wait3A_198 : memref<80x128xf32, #tpu.memory_space<hbm>>) dst(%arg5 : memref<80x128xf32, #tpu.memory_space<vmem>>)
        tpu.yield
      }) : () -> ()
      "tpu.region"() ({
        %run_scoped3A = tpu.sem_alloc : memref<!tpu.dma_semaphore, #tpu.memory_space<semaphore_mem>>
        %dma_start3A = tpu.memref_slice %arg3[%add3A_192] : memref<320000xi32, #tpu.memory_space<hbm>> -> memref<80xi32, #tpu.memory_space<hbm>>
        %dma_start3A_193 = tpu.memref_slice %arg3[%add3A_192] : memref<320000xi32, #tpu.memory_space<hbm>> -> memref<80xi32, #tpu.memory_space<hbm>>
        tpu.enqueue_dma source(%dma_start3A_193 : memref<80xi32, #tpu.memory_space<hbm>>) target(%arg6 : memref<80xi32, #tpu.memory_space<vmem>>) target_semaphore(%run_scoped3A : memref<!tpu.dma_semaphore, #tpu.memory_space<semaphore_mem>>)
        %dma_wait3A = tpu.memref_slice %arg3[%add3A_192] : memref<320000xi32, #tpu.memory_space<hbm>> -> memref<80xi32, #tpu.memory_space<hbm>>
        %dma_wait3A_194 = tpu.memref_slice %arg3[%add3A_192] : memref<320000xi32, #tpu.memory_space<hbm>> -> memref<80xi32, #tpu.memory_space<hbm>>
        tpu.wait_dma2 semaphore(%run_scoped3A : memref<!tpu.dma_semaphore, #tpu.memory_space<semaphore_mem>>) src(%dma_wait3A_194 : memref<80xi32, #tpu.memory_space<hbm>>) dst(%arg6 : memref<80xi32, #tpu.memory_space<vmem>>)
        tpu.yield
      }) : () -> ()
      "tpu.region"() ({
        %run_scoped3A = tpu.sem_alloc : memref<!tpu.dma_semaphore, #tpu.memory_space<semaphore_mem>>
        %dma_start3A = arith.constant 0 : i32
        %dma_start3A_193 = arith.constant 0 : i32
        %dma_start3A_194 = tpu.memref_slice %arg7[%dma_start3A, %dma_start3A_193] : memref<10000x128xf32, #tpu.memory_space<vmem_shared>> -> memref<10000x128xf32, #tpu.memory_space<vmem_shared>>
        tpu.enqueue_indirect_dma source(%arg5 : memref<80x128xf32, #tpu.memory_space<vmem>>) target(%dma_start3A_194 : memref<10000x128xf32, #tpu.memory_space<vmem_shared>>) offsets(%arg6 : memref<80xi32, #tpu.memory_space<vmem>>) semaphore(%run_scoped3A : memref<!tpu.dma_semaphore, #tpu.memory_space<semaphore_mem>>) {add = true}
        %dma_wait3A = arith.constant 0 : i32
        %dma_wait3A_195 = arith.constant 0 : i32
        %dma_wait3A_196 = tpu.memref_slice %arg7[%dma_wait3A, %dma_wait3A_195] : memref<10000x128xf32, #tpu.memory_space<vmem_shared>> -> memref<10000x128xf32, #tpu.memory_space<vmem_shared>>
        tpu.wait_indirect_dma semaphore(%run_scoped3A : memref<!tpu.dma_semaphore, #tpu.memory_space<semaphore_mem>>) src(%arg5 : memref<80x128xf32, #tpu.memory_space<vmem>>) dst(%dma_wait3A_196 : memref<10000x128xf32, #tpu.memory_space<vmem_shared>>)
        tpu.yield
      }) : () -> ()
    }
    %scan3A_99 = arith.constant 125 : i32
    %barrier3A_100 = arith.constant 0 : index
    tpu.barrier barrier_id(%barrier3A_100)
    %mul3A_101 = arith.constant 640 : i32
    %mul3A_102 = arith.muli %arg1, %mul3A_101 : i32
    %add3A_103 = arith.constant 0 : i32
    %add3A_104 = arith.addi %mul3A_102, %add3A_103 : i32
    %add3A_105 = arith.constant 80 : i32
    %add3A_106 = arith.addi %add3A_104, %add3A_105 : i32
    %le3A_107 = arith.constant 10000 : i32
    %le3A_108 = arith.cmpi sle, %add3A_106, %le3A_107 : i32
    %convert_element_type3A_109 = arith.extui %le3A_108 : i1 to i32
    %cond3A_110 = arith.constant 0 : i32
    %cond3A_111 = arith.cmpi ne, %convert_element_type3A_109, %cond3A_110 : i32
    scf.if %cond3A_111 {
      "tpu.region"() ({
        %run_scoped3A = tpu.sem_alloc : memref<!tpu.dma_semaphore, #tpu.memory_space<semaphore_mem>>
        %dma_start3A = arith.constant 0 : i32
        %dma_start3A_189 = tpu.memref_slice %arg7[%add3A_104, %dma_start3A] : memref<10000x128xf32, #tpu.memory_space<vmem_shared>> -> memref<80x128xf32, #tpu.memory_space<vmem_shared>>
        %dma_start3A_190 = arith.constant 0 : i32
        %dma_start3A_191 = tpu.memref_slice %arg7[%add3A_104, %dma_start3A_190] : memref<10000x128xf32, #tpu.memory_space<vmem_shared>> -> memref<80x128xf32, #tpu.memory_space<vmem_shared>>
        tpu.enqueue_dma source(%dma_start3A_191 : memref<80x128xf32, #tpu.memory_space<vmem_shared>>) target(%arg5 : memref<80x128xf32, #tpu.memory_space<vmem>>) target_semaphore(%run_scoped3A : memref<!tpu.dma_semaphore, #tpu.memory_space<semaphore_mem>>)
        %dma_wait3A = arith.constant 0 : i32
        %dma_wait3A_192 = tpu.memref_slice %arg7[%add3A_104, %dma_wait3A] : memref<10000x128xf32, #tpu.memory_space<vmem_shared>> -> memref<80x128xf32, #tpu.memory_space<vmem_shared>>
        %dma_wait3A_193 = arith.constant 0 : i32
        %dma_wait3A_194 = tpu.memref_slice %arg7[%add3A_104, %dma_wait3A_193] : memref<10000x128xf32, #tpu.memory_space<vmem_shared>> -> memref<80x128xf32, #tpu.memory_space<vmem_shared>>
        tpu.wait_dma2 semaphore(%run_scoped3A : memref<!tpu.dma_semaphore, #tpu.memory_space<semaphore_mem>>) src(%dma_wait3A_194 : memref<80x128xf32, #tpu.memory_space<vmem_shared>>) dst(%arg5 : memref<80x128xf32, #tpu.memory_space<vmem>>)
        tpu.yield
      }) : () -> ()
      "tpu.region"() ({
        %run_scoped3A = tpu.sem_alloc : memref<!tpu.dma_semaphore, #tpu.memory_space<semaphore_mem>>
        %dma_start3A = arith.constant 0 : i32
        %dma_start3A_189 = tpu.memref_slice %arg4[%arg0, %add3A_104, %dma_start3A] : memref<2x10000x128xf32, #tpu.memory_space<hbm>> -> memref<1x80x128xf32, #tpu.memory_space<hbm>>
        %dma_start3A_190 = tpu.memref_squeeze %dma_start3A_189 : memref<1x80x128xf32, #tpu.memory_space<hbm>> -> memref<80x128xf32, #tpu.memory_space<hbm>>
        %dma_start3A_191 = arith.constant 0 : i32
        %dma_start3A_192 = tpu.memref_slice %arg4[%arg0, %add3A_104, %dma_start3A_191] : memref<2x10000x128xf32, #tpu.memory_space<hbm>> -> memref<1x80x128xf32, #tpu.memory_space<hbm>>
        %dma_start3A_193 = tpu.memref_squeeze %dma_start3A_192 : memref<1x80x128xf32, #tpu.memory_space<hbm>> -> memref<80x128xf32, #tpu.memory_space<hbm>>
        tpu.enqueue_dma source(%arg5 : memref<80x128xf32, #tpu.memory_space<vmem>>) target(%dma_start3A_193 : memref<80x128xf32, #tpu.memory_space<hbm>>) target_semaphore(%run_scoped3A : memref<!tpu.dma_semaphore, #tpu.memory_space<semaphore_mem>>)
        %dma_wait3A = arith.constant 0 : i32
        %dma_wait3A_194 = tpu.memref_slice %arg4[%arg0, %add3A_104, %dma_wait3A] : memref<2x10000x128xf32, #tpu.memory_space<hbm>> -> memref<1x80x128xf32, #tpu.memory_space<hbm>>
        %dma_wait3A_195 = tpu.memref_squeeze %dma_wait3A_194 : memref<1x80x128xf32, #tpu.memory_space<hbm>> -> memref<80x128xf32, #tpu.memory_space<hbm>>
        %dma_wait3A_196 = arith.constant 0 : i32
        %dma_wait3A_197 = tpu.memref_slice %arg4[%arg0, %add3A_104, %dma_wait3A_196] : memref<2x10000x128xf32, #tpu.memory_space<hbm>> -> memref<1x80x128xf32, #tpu.memory_space<hbm>>
        %dma_wait3A_198 = tpu.memref_squeeze %dma_wait3A_197 : memref<1x80x128xf32, #tpu.memory_space<hbm>> -> memref<80x128xf32, #tpu.memory_space<hbm>>
        tpu.wait_dma2 semaphore(%run_scoped3A : memref<!tpu.dma_semaphore, #tpu.memory_space<semaphore_mem>>) src(%arg5 : memref<80x128xf32, #tpu.memory_space<vmem>>) dst(%dma_wait3A_198 : memref<80x128xf32, #tpu.memory_space<hbm>>)
        tpu.yield
      }) : () -> ()
    } else {
    }
    %mul3A_112 = arith.constant 640 : i32
    %mul3A_113 = arith.muli %arg1, %mul3A_112 : i32
    %add3A_114 = arith.constant 80 : i32
    %add3A_115 = arith.addi %mul3A_113, %add3A_114 : i32
    %add3A_116 = arith.constant 80 : i32
    %add3A_117 = arith.addi %add3A_115, %add3A_116 : i32
    %le3A_118 = arith.constant 10000 : i32
    %le3A_119 = arith.cmpi sle, %add3A_117, %le3A_118 : i32
    %convert_element_type3A_120 = arith.extui %le3A_119 : i1 to i32
    %cond3A_121 = arith.constant 0 : i32
    %cond3A_122 = arith.cmpi ne, %convert_element_type3A_120, %cond3A_121 : i32
    scf.if %cond3A_122 {
      "tpu.region"() ({
        %run_scoped3A = tpu.sem_alloc : memref<!tpu.dma_semaphore, #tpu.memory_space<semaphore_mem>>
        %dma_start3A = arith.constant 0 : i32
        %dma_start3A_189 = tpu.memref_slice %arg7[%add3A_115, %dma_start3A] : memref<10000x128xf32, #tpu.memory_space<vmem_shared>> -> memref<80x128xf32, #tpu.memory_space<vmem_shared>>
        %dma_start3A_190 = arith.constant 0 : i32
        %dma_start3A_191 = tpu.memref_slice %arg7[%add3A_115, %dma_start3A_190] : memref<10000x128xf32, #tpu.memory_space<vmem_shared>> -> memref<80x128xf32, #tpu.memory_space<vmem_shared>>
        tpu.enqueue_dma source(%dma_start3A_191 : memref<80x128xf32, #tpu.memory_space<vmem_shared>>) target(%arg5 : memref<80x128xf32, #tpu.memory_space<vmem>>) target_semaphore(%run_scoped3A : memref<!tpu.dma_semaphore, #tpu.memory_space<semaphore_mem>>)
        %dma_wait3A = arith.constant 0 : i32
        %dma_wait3A_192 = tpu.memref_slice %arg7[%add3A_115, %dma_wait3A] : memref<10000x128xf32, #tpu.memory_space<vmem_shared>> -> memref<80x128xf32, #tpu.memory_space<vmem_shared>>
        %dma_wait3A_193 = arith.constant 0 : i32
        %dma_wait3A_194 = tpu.memref_slice %arg7[%add3A_115, %dma_wait3A_193] : memref<10000x128xf32, #tpu.memory_space<vmem_shared>> -> memref<80x128xf32, #tpu.memory_space<vmem_shared>>
        tpu.wait_dma2 semaphore(%run_scoped3A : memref<!tpu.dma_semaphore, #tpu.memory_space<semaphore_mem>>) src(%dma_wait3A_194 : memref<80x128xf32, #tpu.memory_space<vmem_shared>>) dst(%arg5 : memref<80x128xf32, #tpu.memory_space<vmem>>)
        tpu.yield
      }) : () -> ()
      "tpu.region"() ({
        %run_scoped3A = tpu.sem_alloc : memref<!tpu.dma_semaphore, #tpu.memory_space<semaphore_mem>>
        %dma_start3A = arith.constant 0 : i32
        %dma_start3A_189 = tpu.memref_slice %arg4[%arg0, %add3A_115, %dma_start3A] : memref<2x10000x128xf32, #tpu.memory_space<hbm>> -> memref<1x80x128xf32, #tpu.memory_space<hbm>>
        %dma_start3A_190 = tpu.memref_squeeze %dma_start3A_189 : memref<1x80x128xf32, #tpu.memory_space<hbm>> -> memref<80x128xf32, #tpu.memory_space<hbm>>
        %dma_start3A_191 = arith.constant 0 : i32
        %dma_start3A_192 = tpu.memref_slice %arg4[%arg0, %add3A_115, %dma_start3A_191] : memref<2x10000x128xf32, #tpu.memory_space<hbm>> -> memref<1x80x128xf32, #tpu.memory_space<hbm>>
        %dma_start3A_193 = tpu.memref_squeeze %dma_start3A_192 : memref<1x80x128xf32, #tpu.memory_space<hbm>> -> memref<80x128xf32, #tpu.memory_space<hbm>>
        tpu.enqueue_dma source(%arg5 : memref<80x128xf32, #tpu.memory_space<vmem>>) target(%dma_start3A_193 : memref<80x128xf32, #tpu.memory_space<hbm>>) target_semaphore(%run_scoped3A : memref<!tpu.dma_semaphore, #tpu.memory_space<semaphore_mem>>)
        %dma_wait3A = arith.constant 0 : i32
        %dma_wait3A_194 = tpu.memref_slice %arg4[%arg0, %add3A_115, %dma_wait3A] : memref<2x10000x128xf32, #tpu.memory_space<hbm>> -> memref<1x80x128xf32, #tpu.memory_space<hbm>>
        %dma_wait3A_195 = tpu.memref_squeeze %dma_wait3A_194 : memref<1x80x128xf32, #tpu.memory_space<hbm>> -> memref<80x128xf32, #tpu.memory_space<hbm>>
        %dma_wait3A_196 = arith.constant 0 : i32
        %dma_wait3A_197 = tpu.memref_slice %arg4[%arg0, %add3A_115, %dma_wait3A_196] : memref<2x10000x128xf32, #tpu.memory_space<hbm>> -> memref<1x80x128xf32, #tpu.memory_space<hbm>>
        %dma_wait3A_198 = tpu.memref_squeeze %dma_wait3A_197 : memref<1x80x128xf32, #tpu.memory_space<hbm>> -> memref<80x128xf32, #tpu.memory_space<hbm>>
        tpu.wait_dma2 semaphore(%run_scoped3A : memref<!tpu.dma_semaphore, #tpu.memory_space<semaphore_mem>>) src(%arg5 : memref<80x128xf32, #tpu.memory_space<vmem>>) dst(%dma_wait3A_198 : memref<80x128xf32, #tpu.memory_space<hbm>>)
        tpu.yield
      }) : () -> ()
    } else {
    }
    %mul3A_123 = arith.constant 640 : i32
    %mul3A_124 = arith.muli %arg1, %mul3A_123 : i32
    %add3A_125 = arith.constant 160 : i32
    %add3A_126 = arith.addi %mul3A_124, %add3A_125 : i32
    %add3A_127 = arith.constant 80 : i32
    %add3A_128 = arith.addi %add3A_126, %add3A_127 : i32
    %le3A_129 = arith.constant 10000 : i32
    %le3A_130 = arith.cmpi sle, %add3A_128, %le3A_129 : i32
    %convert_element_type3A_131 = arith.extui %le3A_130 : i1 to i32
    %cond3A_132 = arith.constant 0 : i32
    %cond3A_133 = arith.cmpi ne, %convert_element_type3A_131, %cond3A_132 : i32
    scf.if %cond3A_133 {
      "tpu.region"() ({
        %run_scoped3A = tpu.sem_alloc : memref<!tpu.dma_semaphore, #tpu.memory_space<semaphore_mem>>
        %dma_start3A = arith.constant 0 : i32
        %dma_start3A_189 = tpu.memref_slice %arg7[%add3A_126, %dma_start3A] : memref<10000x128xf32, #tpu.memory_space<vmem_shared>> -> memref<80x128xf32, #tpu.memory_space<vmem_shared>>
        %dma_start3A_190 = arith.constant 0 : i32
        %dma_start3A_191 = tpu.memref_slice %arg7[%add3A_126, %dma_start3A_190] : memref<10000x128xf32, #tpu.memory_space<vmem_shared>> -> memref<80x128xf32, #tpu.memory_space<vmem_shared>>
        tpu.enqueue_dma source(%dma_start3A_191 : memref<80x128xf32, #tpu.memory_space<vmem_shared>>) target(%arg5 : memref<80x128xf32, #tpu.memory_space<vmem>>) target_semaphore(%run_scoped3A : memref<!tpu.dma_semaphore, #tpu.memory_space<semaphore_mem>>)
        %dma_wait3A = arith.constant 0 : i32
        %dma_wait3A_192 = tpu.memref_slice %arg7[%add3A_126, %dma_wait3A] : memref<10000x128xf32, #tpu.memory_space<vmem_shared>> -> memref<80x128xf32, #tpu.memory_space<vmem_shared>>
        %dma_wait3A_193 = arith.constant 0 : i32
        %dma_wait3A_194 = tpu.memref_slice %arg7[%add3A_126, %dma_wait3A_193] : memref<10000x128xf32, #tpu.memory_space<vmem_shared>> -> memref<80x128xf32, #tpu.memory_space<vmem_shared>>
        tpu.wait_dma2 semaphore(%run_scoped3A : memref<!tpu.dma_semaphore, #tpu.memory_space<semaphore_mem>>) src(%dma_wait3A_194 : memref<80x128xf32, #tpu.memory_space<vmem_shared>>) dst(%arg5 : memref<80x128xf32, #tpu.memory_space<vmem>>)
        tpu.yield
      }) : () -> ()
      "tpu.region"() ({
        %run_scoped3A = tpu.sem_alloc : memref<!tpu.dma_semaphore, #tpu.memory_space<semaphore_mem>>
        %dma_start3A = arith.constant 0 : i32
        %dma_start3A_189 = tpu.memref_slice %arg4[%arg0, %add3A_126, %dma_start3A] : memref<2x10000x128xf32, #tpu.memory_space<hbm>> -> memref<1x80x128xf32, #tpu.memory_space<hbm>>
        %dma_start3A_190 = tpu.memref_squeeze %dma_start3A_189 : memref<1x80x128xf32, #tpu.memory_space<hbm>> -> memref<80x128xf32, #tpu.memory_space<hbm>>
        %dma_start3A_191 = arith.constant 0 : i32
        %dma_start3A_192 = tpu.memref_slice %arg4[%arg0, %add3A_126, %dma_start3A_191] : memref<2x10000x128xf32, #tpu.memory_space<hbm>> -> memref<1x80x128xf32, #tpu.memory_space<hbm>>
        %dma_start3A_193 = tpu.memref_squeeze %dma_start3A_192 : memref<1x80x128xf32, #tpu.memory_space<hbm>> -> memref<80x128xf32, #tpu.memory_space<hbm>>
        tpu.enqueue_dma source(%arg5 : memref<80x128xf32, #tpu.memory_space<vmem>>) target(%dma_start3A_193 : memref<80x128xf32, #tpu.memory_space<hbm>>) target_semaphore(%run_scoped3A : memref<!tpu.dma_semaphore, #tpu.memory_space<semaphore_mem>>)
        %dma_wait3A = arith.constant 0 : i32
        %dma_wait3A_194 = tpu.memref_slice %arg4[%arg0, %add3A_126, %dma_wait3A] : memref<2x10000x128xf32, #tpu.memory_space<hbm>> -> memref<1x80x128xf32, #tpu.memory_space<hbm>>
        %dma_wait3A_195 = tpu.memref_squeeze %dma_wait3A_194 : memref<1x80x128xf32, #tpu.memory_space<hbm>> -> memref<80x128xf32, #tpu.memory_space<hbm>>
        %dma_wait3A_196 = arith.constant 0 : i32
        %dma_wait3A_197 = tpu.memref_slice %arg4[%arg0, %add3A_126, %dma_wait3A_196] : memref<2x10000x128xf32, #tpu.memory_space<hbm>> -> memref<1x80x128xf32, #tpu.memory_space<hbm>>
        %dma_wait3A_198 = tpu.memref_squeeze %dma_wait3A_197 : memref<1x80x128xf32, #tpu.memory_space<hbm>> -> memref<80x128xf32, #tpu.memory_space<hbm>>
        tpu.wait_dma2 semaphore(%run_scoped3A : memref<!tpu.dma_semaphore, #tpu.memory_space<semaphore_mem>>) src(%arg5 : memref<80x128xf32, #tpu.memory_space<vmem>>) dst(%dma_wait3A_198 : memref<80x128xf32, #tpu.memory_space<hbm>>)
        tpu.yield
      }) : () -> ()
    } else {
    }
    %mul3A_134 = arith.constant 640 : i32
    %mul3A_135 = arith.muli %arg1, %mul3A_134 : i32
    %add3A_136 = arith.constant 240 : i32
    %add3A_137 = arith.addi %mul3A_135, %add3A_136 : i32
    %add3A_138 = arith.constant 80 : i32
    %add3A_139 = arith.addi %add3A_137, %add3A_138 : i32
    %le3A_140 = arith.constant 10000 : i32
    %le3A_141 = arith.cmpi sle, %add3A_139, %le3A_140 : i32
    %convert_element_type3A_142 = arith.extui %le3A_141 : i1 to i32
    %cond3A_143 = arith.constant 0 : i32
    %cond3A_144 = arith.cmpi ne, %convert_element_type3A_142, %cond3A_143 : i32
    scf.if %cond3A_144 {
      "tpu.region"() ({
        %run_scoped3A = tpu.sem_alloc : memref<!tpu.dma_semaphore, #tpu.memory_space<semaphore_mem>>
        %dma_start3A = arith.constant 0 : i32
        %dma_start3A_189 = tpu.memref_slice %arg7[%add3A_137, %dma_start3A] : memref<10000x128xf32, #tpu.memory_space<vmem_shared>> -> memref<80x128xf32, #tpu.memory_space<vmem_shared>>
        %dma_start3A_190 = arith.constant 0 : i32
        %dma_start3A_191 = tpu.memref_slice %arg7[%add3A_137, %dma_start3A_190] : memref<10000x128xf32, #tpu.memory_space<vmem_shared>> -> memref<80x128xf32, #tpu.memory_space<vmem_shared>>
        tpu.enqueue_dma source(%dma_start3A_191 : memref<80x128xf32, #tpu.memory_space<vmem_shared>>) target(%arg5 : memref<80x128xf32, #tpu.memory_space<vmem>>) target_semaphore(%run_scoped3A : memref<!tpu.dma_semaphore, #tpu.memory_space<semaphore_mem>>)
        %dma_wait3A = arith.constant 0 : i32
        %dma_wait3A_192 = tpu.memref_slice %arg7[%add3A_137, %dma_wait3A] : memref<10000x128xf32, #tpu.memory_space<vmem_shared>> -> memref<80x128xf32, #tpu.memory_space<vmem_shared>>
        %dma_wait3A_193 = arith.constant 0 : i32
        %dma_wait3A_194 = tpu.memref_slice %arg7[%add3A_137, %dma_wait3A_193] : memref<10000x128xf32, #tpu.memory_space<vmem_shared>> -> memref<80x128xf32, #tpu.memory_space<vmem_shared>>
        tpu.wait_dma2 semaphore(%run_scoped3A : memref<!tpu.dma_semaphore, #tpu.memory_space<semaphore_mem>>) src(%dma_wait3A_194 : memref<80x128xf32, #tpu.memory_space<vmem_shared>>) dst(%arg5 : memref<80x128xf32, #tpu.memory_space<vmem>>)
        tpu.yield
      }) : () -> ()
      "tpu.region"() ({
        %run_scoped3A = tpu.sem_alloc : memref<!tpu.dma_semaphore, #tpu.memory_space<semaphore_mem>>
        %dma_start3A = arith.constant 0 : i32
        %dma_start3A_189 = tpu.memref_slice %arg4[%arg0, %add3A_137, %dma_start3A] : memref<2x10000x128xf32, #tpu.memory_space<hbm>> -> memref<1x80x128xf32, #tpu.memory_space<hbm>>
        %dma_start3A_190 = tpu.memref_squeeze %dma_start3A_189 : memref<1x80x128xf32, #tpu.memory_space<hbm>> -> memref<80x128xf32, #tpu.memory_space<hbm>>
        %dma_start3A_191 = arith.constant 0 : i32
        %dma_start3A_192 = tpu.memref_slice %arg4[%arg0, %add3A_137, %dma_start3A_191] : memref<2x10000x128xf32, #tpu.memory_space<hbm>> -> memref<1x80x128xf32, #tpu.memory_space<hbm>>
        %dma_start3A_193 = tpu.memref_squeeze %dma_start3A_192 : memref<1x80x128xf32, #tpu.memory_space<hbm>> -> memref<80x128xf32, #tpu.memory_space<hbm>>
        tpu.enqueue_dma source(%arg5 : memref<80x128xf32, #tpu.memory_space<vmem>>) target(%dma_start3A_193 : memref<80x128xf32, #tpu.memory_space<hbm>>) target_semaphore(%run_scoped3A : memref<!tpu.dma_semaphore, #tpu.memory_space<semaphore_mem>>)
        %dma_wait3A = arith.constant 0 : i32
        %dma_wait3A_194 = tpu.memref_slice %arg4[%arg0, %add3A_137, %dma_wait3A] : memref<2x10000x128xf32, #tpu.memory_space<hbm>> -> memref<1x80x128xf32, #tpu.memory_space<hbm>>
        %dma_wait3A_195 = tpu.memref_squeeze %dma_wait3A_194 : memref<1x80x128xf32, #tpu.memory_space<hbm>> -> memref<80x128xf32, #tpu.memory_space<hbm>>
        %dma_wait3A_196 = arith.constant 0 : i32
        %dma_wait3A_197 = tpu.memref_slice %arg4[%arg0, %add3A_137, %dma_wait3A_196] : memref<2x10000x128xf32, #tpu.memory_space<hbm>> -> memref<1x80x128xf32, #tpu.memory_space<hbm>>
        %dma_wait3A_198 = tpu.memref_squeeze %dma_wait3A_197 : memref<1x80x128xf32, #tpu.memory_space<hbm>> -> memref<80x128xf32, #tpu.memory_space<hbm>>
        tpu.wait_dma2 semaphore(%run_scoped3A : memref<!tpu.dma_semaphore, #tpu.memory_space<semaphore_mem>>) src(%arg5 : memref<80x128xf32, #tpu.memory_space<vmem>>) dst(%dma_wait3A_198 : memref<80x128xf32, #tpu.memory_space<hbm>>)
        tpu.yield
      }) : () -> ()
    } else {
    }
    %mul3A_145 = arith.constant 640 : i32
    %mul3A_146 = arith.muli %arg1, %mul3A_145 : i32
    %add3A_147 = arith.constant 320 : i32
    %add3A_148 = arith.addi %mul3A_146, %add3A_147 : i32
    %add3A_149 = arith.constant 80 : i32
    %add3A_150 = arith.addi %add3A_148, %add3A_149 : i32
    %le3A_151 = arith.constant 10000 : i32
    %le3A_152 = arith.cmpi sle, %add3A_150, %le3A_151 : i32
    %convert_element_type3A_153 = arith.extui %le3A_152 : i1 to i32
    %cond3A_154 = arith.constant 0 : i32
    %cond3A_155 = arith.cmpi ne, %convert_element_type3A_153, %cond3A_154 : i32
    scf.if %cond3A_155 {
      "tpu.region"() ({
        %run_scoped3A = tpu.sem_alloc : memref<!tpu.dma_semaphore, #tpu.memory_space<semaphore_mem>>
        %dma_start3A = arith.constant 0 : i32
        %dma_start3A_189 = tpu.memref_slice %arg7[%add3A_148, %dma_start3A] : memref<10000x128xf32, #tpu.memory_space<vmem_shared>> -> memref<80x128xf32, #tpu.memory_space<vmem_shared>>
        %dma_start3A_190 = arith.constant 0 : i32
        %dma_start3A_191 = tpu.memref_slice %arg7[%add3A_148, %dma_start3A_190] : memref<10000x128xf32, #tpu.memory_space<vmem_shared>> -> memref<80x128xf32, #tpu.memory_space<vmem_shared>>
        tpu.enqueue_dma source(%dma_start3A_191 : memref<80x128xf32, #tpu.memory_space<vmem_shared>>) target(%arg5 : memref<80x128xf32, #tpu.memory_space<vmem>>) target_semaphore(%run_scoped3A : memref<!tpu.dma_semaphore, #tpu.memory_space<semaphore_mem>>)
        %dma_wait3A = arith.constant 0 : i32
        %dma_wait3A_192 = tpu.memref_slice %arg7[%add3A_148, %dma_wait3A] : memref<10000x128xf32, #tpu.memory_space<vmem_shared>> -> memref<80x128xf32, #tpu.memory_space<vmem_shared>>
        %dma_wait3A_193 = arith.constant 0 : i32
        %dma_wait3A_194 = tpu.memref_slice %arg7[%add3A_148, %dma_wait3A_193] : memref<10000x128xf32, #tpu.memory_space<vmem_shared>> -> memref<80x128xf32, #tpu.memory_space<vmem_shared>>
        tpu.wait_dma2 semaphore(%run_scoped3A : memref<!tpu.dma_semaphore, #tpu.memory_space<semaphore_mem>>) src(%dma_wait3A_194 : memref<80x128xf32, #tpu.memory_space<vmem_shared>>) dst(%arg5 : memref<80x128xf32, #tpu.memory_space<vmem>>)
        tpu.yield
      }) : () -> ()
      "tpu.region"() ({
        %run_scoped3A = tpu.sem_alloc : memref<!tpu.dma_semaphore, #tpu.memory_space<semaphore_mem>>
        %dma_start3A = arith.constant 0 : i32
        %dma_start3A_189 = tpu.memref_slice %arg4[%arg0, %add3A_148, %dma_start3A] : memref<2x10000x128xf32, #tpu.memory_space<hbm>> -> memref<1x80x128xf32, #tpu.memory_space<hbm>>
        %dma_start3A_190 = tpu.memref_squeeze %dma_start3A_189 : memref<1x80x128xf32, #tpu.memory_space<hbm>> -> memref<80x128xf32, #tpu.memory_space<hbm>>
        %dma_start3A_191 = arith.constant 0 : i32
        %dma_start3A_192 = tpu.memref_slice %arg4[%arg0, %add3A_148, %dma_start3A_191] : memref<2x10000x128xf32, #tpu.memory_space<hbm>> -> memref<1x80x128xf32, #tpu.memory_space<hbm>>
        %dma_start3A_193 = tpu.memref_squeeze %dma_start3A_192 : memref<1x80x128xf32, #tpu.memory_space<hbm>> -> memref<80x128xf32, #tpu.memory_space<hbm>>
        tpu.enqueue_dma source(%arg5 : memref<80x128xf32, #tpu.memory_space<vmem>>) target(%dma_start3A_193 : memref<80x128xf32, #tpu.memory_space<hbm>>) target_semaphore(%run_scoped3A : memref<!tpu.dma_semaphore, #tpu.memory_space<semaphore_mem>>)
        %dma_wait3A = arith.constant 0 : i32
        %dma_wait3A_194 = tpu.memref_slice %arg4[%arg0, %add3A_148, %dma_wait3A] : memref<2x10000x128xf32, #tpu.memory_space<hbm>> -> memref<1x80x128xf32, #tpu.memory_space<hbm>>
        %dma_wait3A_195 = tpu.memref_squeeze %dma_wait3A_194 : memref<1x80x128xf32, #tpu.memory_space<hbm>> -> memref<80x128xf32, #tpu.memory_space<hbm>>
        %dma_wait3A_196 = arith.constant 0 : i32
        %dma_wait3A_197 = tpu.memref_slice %arg4[%arg0, %add3A_148, %dma_wait3A_196] : memref<2x10000x128xf32, #tpu.memory_space<hbm>> -> memref<1x80x128xf32, #tpu.memory_space<hbm>>
        %dma_wait3A_198 = tpu.memref_squeeze %dma_wait3A_197 : memref<1x80x128xf32, #tpu.memory_space<hbm>> -> memref<80x128xf32, #tpu.memory_space<hbm>>
        tpu.wait_dma2 semaphore(%run_scoped3A : memref<!tpu.dma_semaphore, #tpu.memory_space<semaphore_mem>>) src(%arg5 : memref<80x128xf32, #tpu.memory_space<vmem>>) dst(%dma_wait3A_198 : memref<80x128xf32, #tpu.memory_space<hbm>>)
        tpu.yield
      }) : () -> ()
    } else {
    }
    %mul3A_156 = arith.constant 640 : i32
    %mul3A_157 = arith.muli %arg1, %mul3A_156 : i32
    %add3A_158 = arith.constant 400 : i32
    %add3A_159 = arith.addi %mul3A_157, %add3A_158 : i32
    %add3A_160 = arith.constant 80 : i32
    %add3A_161 = arith.addi %add3A_159, %add3A_160 : i32
    %le3A_162 = arith.constant 10000 : i32
    %le3A_163 = arith.cmpi sle, %add3A_161, %le3A_162 : i32
    %convert_element_type3A_164 = arith.extui %le3A_163 : i1 to i32
    %cond3A_165 = arith.constant 0 : i32
    %cond3A_166 = arith.cmpi ne, %convert_element_type3A_164, %cond3A_165 : i32
    scf.if %cond3A_166 {
      "tpu.region"() ({
        %run_scoped3A = tpu.sem_alloc : memref<!tpu.dma_semaphore, #tpu.memory_space<semaphore_mem>>
        %dma_start3A = arith.constant 0 : i32
        %dma_start3A_189 = tpu.memref_slice %arg7[%add3A_159, %dma_start3A] : memref<10000x128xf32, #tpu.memory_space<vmem_shared>> -> memref<80x128xf32, #tpu.memory_space<vmem_shared>>
        %dma_start3A_190 = arith.constant 0 : i32
        %dma_start3A_191 = tpu.memref_slice %arg7[%add3A_159, %dma_start3A_190] : memref<10000x128xf32, #tpu.memory_space<vmem_shared>> -> memref<80x128xf32, #tpu.memory_space<vmem_shared>>
        tpu.enqueue_dma source(%dma_start3A_191 : memref<80x128xf32, #tpu.memory_space<vmem_shared>>) target(%arg5 : memref<80x128xf32, #tpu.memory_space<vmem>>) target_semaphore(%run_scoped3A : memref<!tpu.dma_semaphore, #tpu.memory_space<semaphore_mem>>)
        %dma_wait3A = arith.constant 0 : i32
        %dma_wait3A_192 = tpu.memref_slice %arg7[%add3A_159, %dma_wait3A] : memref<10000x128xf32, #tpu.memory_space<vmem_shared>> -> memref<80x128xf32, #tpu.memory_space<vmem_shared>>
        %dma_wait3A_193 = arith.constant 0 : i32
        %dma_wait3A_194 = tpu.memref_slice %arg7[%add3A_159, %dma_wait3A_193] : memref<10000x128xf32, #tpu.memory_space<vmem_shared>> -> memref<80x128xf32, #tpu.memory_space<vmem_shared>>
        tpu.wait_dma2 semaphore(%run_scoped3A : memref<!tpu.dma_semaphore, #tpu.memory_space<semaphore_mem>>) src(%dma_wait3A_194 : memref<80x128xf32, #tpu.memory_space<vmem_shared>>) dst(%arg5 : memref<80x128xf32, #tpu.memory_space<vmem>>)
        tpu.yield
      }) : () -> ()
      "tpu.region"() ({
        %run_scoped3A = tpu.sem_alloc : memref<!tpu.dma_semaphore, #tpu.memory_space<semaphore_mem>>
        %dma_start3A = arith.constant 0 : i32
        %dma_start3A_189 = tpu.memref_slice %arg4[%arg0, %add3A_159, %dma_start3A] : memref<2x10000x128xf32, #tpu.memory_space<hbm>> -> memref<1x80x128xf32, #tpu.memory_space<hbm>>
        %dma_start3A_190 = tpu.memref_squeeze %dma_start3A_189 : memref<1x80x128xf32, #tpu.memory_space<hbm>> -> memref<80x128xf32, #tpu.memory_space<hbm>>
        %dma_start3A_191 = arith.constant 0 : i32
        %dma_start3A_192 = tpu.memref_slice %arg4[%arg0, %add3A_159, %dma_start3A_191] : memref<2x10000x128xf32, #tpu.memory_space<hbm>> -> memref<1x80x128xf32, #tpu.memory_space<hbm>>
        %dma_start3A_193 = tpu.memref_squeeze %dma_start3A_192 : memref<1x80x128xf32, #tpu.memory_space<hbm>> -> memref<80x128xf32, #tpu.memory_space<hbm>>
        tpu.enqueue_dma source(%arg5 : memref<80x128xf32, #tpu.memory_space<vmem>>) target(%dma_start3A_193 : memref<80x128xf32, #tpu.memory_space<hbm>>) target_semaphore(%run_scoped3A : memref<!tpu.dma_semaphore, #tpu.memory_space<semaphore_mem>>)
        %dma_wait3A = arith.constant 0 : i32
        %dma_wait3A_194 = tpu.memref_slice %arg4[%arg0, %add3A_159, %dma_wait3A] : memref<2x10000x128xf32, #tpu.memory_space<hbm>> -> memref<1x80x128xf32, #tpu.memory_space<hbm>>
        %dma_wait3A_195 = tpu.memref_squeeze %dma_wait3A_194 : memref<1x80x128xf32, #tpu.memory_space<hbm>> -> memref<80x128xf32, #tpu.memory_space<hbm>>
        %dma_wait3A_196 = arith.constant 0 : i32
        %dma_wait3A_197 = tpu.memref_slice %arg4[%arg0, %add3A_159, %dma_wait3A_196] : memref<2x10000x128xf32, #tpu.memory_space<hbm>> -> memref<1x80x128xf32, #tpu.memory_space<hbm>>
        %dma_wait3A_198 = tpu.memref_squeeze %dma_wait3A_197 : memref<1x80x128xf32, #tpu.memory_space<hbm>> -> memref<80x128xf32, #tpu.memory_space<hbm>>
        tpu.wait_dma2 semaphore(%run_scoped3A : memref<!tpu.dma_semaphore, #tpu.memory_space<semaphore_mem>>) src(%arg5 : memref<80x128xf32, #tpu.memory_space<vmem>>) dst(%dma_wait3A_198 : memref<80x128xf32, #tpu.memory_space<hbm>>)
        tpu.yield
      }) : () -> ()
    } else {
    }
    %mul3A_167 = arith.constant 640 : i32
    %mul3A_168 = arith.muli %arg1, %mul3A_167 : i32
    %add3A_169 = arith.constant 480 : i32
    %add3A_170 = arith.addi %mul3A_168, %add3A_169 : i32
    %add3A_171 = arith.constant 80 : i32
    %add3A_172 = arith.addi %add3A_170, %add3A_171 : i32
    %le3A_173 = arith.constant 10000 : i32
    %le3A_174 = arith.cmpi sle, %add3A_172, %le3A_173 : i32
    %convert_element_type3A_175 = arith.extui %le3A_174 : i1 to i32
    %cond3A_176 = arith.constant 0 : i32
    %cond3A_177 = arith.cmpi ne, %convert_element_type3A_175, %cond3A_176 : i32
    scf.if %cond3A_177 {
      "tpu.region"() ({
        %run_scoped3A = tpu.sem_alloc : memref<!tpu.dma_semaphore, #tpu.memory_space<semaphore_mem>>
        %dma_start3A = arith.constant 0 : i32
        %dma_start3A_189 = tpu.memref_slice %arg7[%add3A_170, %dma_start3A] : memref<10000x128xf32, #tpu.memory_space<vmem_shared>> -> memref<80x128xf32, #tpu.memory_space<vmem_shared>>
        %dma_start3A_190 = arith.constant 0 : i32
        %dma_start3A_191 = tpu.memref_slice %arg7[%add3A_170, %dma_start3A_190] : memref<10000x128xf32, #tpu.memory_space<vmem_shared>> -> memref<80x128xf32, #tpu.memory_space<vmem_shared>>
        tpu.enqueue_dma source(%dma_start3A_191 : memref<80x128xf32, #tpu.memory_space<vmem_shared>>) target(%arg5 : memref<80x128xf32, #tpu.memory_space<vmem>>) target_semaphore(%run_scoped3A : memref<!tpu.dma_semaphore, #tpu.memory_space<semaphore_mem>>)
        %dma_wait3A = arith.constant 0 : i32
        %dma_wait3A_192 = tpu.memref_slice %arg7[%add3A_170, %dma_wait3A] : memref<10000x128xf32, #tpu.memory_space<vmem_shared>> -> memref<80x128xf32, #tpu.memory_space<vmem_shared>>
        %dma_wait3A_193 = arith.constant 0 : i32
        %dma_wait3A_194 = tpu.memref_slice %arg7[%add3A_170, %dma_wait3A_193] : memref<10000x128xf32, #tpu.memory_space<vmem_shared>> -> memref<80x128xf32, #tpu.memory_space<vmem_shared>>
        tpu.wait_dma2 semaphore(%run_scoped3A : memref<!tpu.dma_semaphore, #tpu.memory_space<semaphore_mem>>) src(%dma_wait3A_194 : memref<80x128xf32, #tpu.memory_space<vmem_shared>>) dst(%arg5 : memref<80x128xf32, #tpu.memory_space<vmem>>)
        tpu.yield
      }) : () -> ()
      "tpu.region"() ({
        %run_scoped3A = tpu.sem_alloc : memref<!tpu.dma_semaphore, #tpu.memory_space<semaphore_mem>>
        %dma_start3A = arith.constant 0 : i32
        %dma_start3A_189 = tpu.memref_slice %arg4[%arg0, %add3A_170, %dma_start3A] : memref<2x10000x128xf32, #tpu.memory_space<hbm>> -> memref<1x80x128xf32, #tpu.memory_space<hbm>>
        %dma_start3A_190 = tpu.memref_squeeze %dma_start3A_189 : memref<1x80x128xf32, #tpu.memory_space<hbm>> -> memref<80x128xf32, #tpu.memory_space<hbm>>
        %dma_start3A_191 = arith.constant 0 : i32
        %dma_start3A_192 = tpu.memref_slice %arg4[%arg0, %add3A_170, %dma_start3A_191] : memref<2x10000x128xf32, #tpu.memory_space<hbm>> -> memref<1x80x128xf32, #tpu.memory_space<hbm>>
        %dma_start3A_193 = tpu.memref_squeeze %dma_start3A_192 : memref<1x80x128xf32, #tpu.memory_space<hbm>> -> memref<80x128xf32, #tpu.memory_space<hbm>>
        tpu.enqueue_dma source(%arg5 : memref<80x128xf32, #tpu.memory_space<vmem>>) target(%dma_start3A_193 : memref<80x128xf32, #tpu.memory_space<hbm>>) target_semaphore(%run_scoped3A : memref<!tpu.dma_semaphore, #tpu.memory_space<semaphore_mem>>)
        %dma_wait3A = arith.constant 0 : i32
        %dma_wait3A_194 = tpu.memref_slice %arg4[%arg0, %add3A_170, %dma_wait3A] : memref<2x10000x128xf32, #tpu.memory_space<hbm>> -> memref<1x80x128xf32, #tpu.memory_space<hbm>>
        %dma_wait3A_195 = tpu.memref_squeeze %dma_wait3A_194 : memref<1x80x128xf32, #tpu.memory_space<hbm>> -> memref<80x128xf32, #tpu.memory_space<hbm>>
        %dma_wait3A_196 = arith.constant 0 : i32
        %dma_wait3A_197 = tpu.memref_slice %arg4[%arg0, %add3A_170, %dma_wait3A_196] : memref<2x10000x128xf32, #tpu.memory_space<hbm>> -> memref<1x80x128xf32, #tpu.memory_space<hbm>>
        %dma_wait3A_198 = tpu.memref_squeeze %dma_wait3A_197 : memref<1x80x128xf32, #tpu.memory_space<hbm>> -> memref<80x128xf32, #tpu.memory_space<hbm>>
        tpu.wait_dma2 semaphore(%run_scoped3A : memref<!tpu.dma_semaphore, #tpu.memory_space<semaphore_mem>>) src(%arg5 : memref<80x128xf32, #tpu.memory_space<vmem>>) dst(%dma_wait3A_198 : memref<80x128xf32, #tpu.memory_space<hbm>>)
        tpu.yield
      }) : () -> ()
    } else {
    }
    %mul3A_178 = arith.constant 640 : i32
    %mul3A_179 = arith.muli %arg1, %mul3A_178 : i32
    %add3A_180 = arith.constant 560 : i32
    %add3A_181 = arith.addi %mul3A_179, %add3A_180 : i32
    %add3A_182 = arith.constant 80 : i32
    %add3A_183 = arith.addi %add3A_181, %add3A_182 : i32
    %le3A_184 = arith.constant 10000 : i32
    %le3A_185 = arith.cmpi sle, %add3A_183, %le3A_184 : i32
    %convert_element_type3A_186 = arith.extui %le3A_185 : i1 to i32
    %cond3A_187 = arith.constant 0 : i32
    %cond3A_188 = arith.cmpi ne, %convert_element_type3A_186, %cond3A_187 : i32
    scf.if %cond3A_188 {
      "tpu.region"() ({
        %run_scoped3A = tpu.sem_alloc : memref<!tpu.dma_semaphore, #tpu.memory_space<semaphore_mem>>
        %dma_start3A = arith.constant 0 : i32
        %dma_start3A_189 = tpu.memref_slice %arg7[%add3A_181, %dma_start3A] : memref<10000x128xf32, #tpu.memory_space<vmem_shared>> -> memref<80x128xf32, #tpu.memory_space<vmem_shared>>
        %dma_start3A_190 = arith.constant 0 : i32
        %dma_start3A_191 = tpu.memref_slice %arg7[%add3A_181, %dma_start3A_190] : memref<10000x128xf32, #tpu.memory_space<vmem_shared>> -> memref<80x128xf32, #tpu.memory_space<vmem_shared>>
        tpu.enqueue_dma source(%dma_start3A_191 : memref<80x128xf32, #tpu.memory_space<vmem_shared>>) target(%arg5 : memref<80x128xf32, #tpu.memory_space<vmem>>) target_semaphore(%run_scoped3A : memref<!tpu.dma_semaphore, #tpu.memory_space<semaphore_mem>>)
        %dma_wait3A = arith.constant 0 : i32
        %dma_wait3A_192 = tpu.memref_slice %arg7[%add3A_181, %dma_wait3A] : memref<10000x128xf32, #tpu.memory_space<vmem_shared>> -> memref<80x128xf32, #tpu.memory_space<vmem_shared>>
        %dma_wait3A_193 = arith.constant 0 : i32
        %dma_wait3A_194 = tpu.memref_slice %arg7[%add3A_181, %dma_wait3A_193] : memref<10000x128xf32, #tpu.memory_space<vmem_shared>> -> memref<80x128xf32, #tpu.memory_space<vmem_shared>>
        tpu.wait_dma2 semaphore(%run_scoped3A : memref<!tpu.dma_semaphore, #tpu.memory_space<semaphore_mem>>) src(%dma_wait3A_194 : memref<80x128xf32, #tpu.memory_space<vmem_shared>>) dst(%arg5 : memref<80x128xf32, #tpu.memory_space<vmem>>)
        tpu.yield
      }) : () -> ()
      "tpu.region"() ({
        %run_scoped3A = tpu.sem_alloc : memref<!tpu.dma_semaphore, #tpu.memory_space<semaphore_mem>>
        %dma_start3A = arith.constant 0 : i32
        %dma_start3A_189 = tpu.memref_slice %arg4[%arg0, %add3A_181, %dma_start3A] : memref<2x10000x128xf32, #tpu.memory_space<hbm>> -> memref<1x80x128xf32, #tpu.memory_space<hbm>>
        %dma_start3A_190 = tpu.memref_squeeze %dma_start3A_189 : memref<1x80x128xf32, #tpu.memory_space<hbm>> -> memref<80x128xf32, #tpu.memory_space<hbm>>
        %dma_start3A_191 = arith.constant 0 : i32
        %dma_start3A_192 = tpu.memref_slice %arg4[%arg0, %add3A_181, %dma_start3A_191] : memref<2x10000x128xf32, #tpu.memory_space<hbm>> -> memref<1x80x128xf32, #tpu.memory_space<hbm>>
        %dma_start3A_193 = tpu.memref_squeeze %dma_start3A_192 : memref<1x80x128xf32, #tpu.memory_space<hbm>> -> memref<80x128xf32, #tpu.memory_space<hbm>>
        tpu.enqueue_dma source(%arg5 : memref<80x128xf32, #tpu.memory_space<vmem>>) target(%dma_start3A_193 : memref<80x128xf32, #tpu.memory_space<hbm>>) target_semaphore(%run_scoped3A : memref<!tpu.dma_semaphore, #tpu.memory_space<semaphore_mem>>)
        %dma_wait3A = arith.constant 0 : i32
        %dma_wait3A_194 = tpu.memref_slice %arg4[%arg0, %add3A_181, %dma_wait3A] : memref<2x10000x128xf32, #tpu.memory_space<hbm>> -> memref<1x80x128xf32, #tpu.memory_space<hbm>>
        %dma_wait3A_195 = tpu.memref_squeeze %dma_wait3A_194 : memref<1x80x128xf32, #tpu.memory_space<hbm>> -> memref<80x128xf32, #tpu.memory_space<hbm>>
        %dma_wait3A_196 = arith.constant 0 : i32
        %dma_wait3A_197 = tpu.memref_slice %arg4[%arg0, %add3A_181, %dma_wait3A_196] : memref<2x10000x128xf32, #tpu.memory_space<hbm>> -> memref<1x80x128xf32, #tpu.memory_space<hbm>>
        %dma_wait3A_198 = tpu.memref_squeeze %dma_wait3A_197 : memref<1x80x128xf32, #tpu.memory_space<hbm>> -> memref<80x128xf32, #tpu.memory_space<hbm>>
        tpu.wait_dma2 semaphore(%run_scoped3A : memref<!tpu.dma_semaphore, #tpu.memory_space<semaphore_mem>>) src(%arg5 : memref<80x128xf32, #tpu.memory_space<vmem>>) dst(%dma_wait3A_198 : memref<80x128xf32, #tpu.memory_space<hbm>>)
        tpu.yield
      }) : () -> ()
    } else {
    }
    return
  }
}

module attributes {stable_mosaic.version = 14 : i64} {
  func.func @_logits_body(%arg0: memref<2x10000x128xf32, #tpu.memory_space<vmem>>, %arg1: memref<128x128xf32, #tpu.memory_space<vmem>>, %arg2: memref<128x128xf32, #tpu.memory_space<vmem>>, %arg3: memref<128x64xf32, #tpu.memory_space<vmem>>, %arg4: memref<10000x64xf32, #tpu.memory_space<vmem>>) attributes {dimension_semantics = [], scalar_prefetch = 0 : i64, scratch_operands = 0 : i64, tpu.core_type = #tpu.core_type<tc>} {
    %get3A = arith.constant 0 : index
    %get3A_0 = arith.constant 0 : index
    %get3A_1 = arith.constant 0 : index
    %get3A_2 = vector.load %arg0[%get3A, %get3A_0, %get3A_1] : memref<2x10000x128xf32, #tpu.memory_space<vmem>>, vector<1x10000x128xf32>
    %get3A_3 = vector.shape_cast %get3A_2 : vector<1x10000x128xf32> to vector<10000x128xf32>
    %get3A_4 = arith.constant 1 : index
    %get3A_5 = arith.constant 0 : index
    %get3A_6 = arith.constant 0 : index
    %get3A_7 = vector.load %arg0[%get3A_4, %get3A_5, %get3A_6] : memref<2x10000x128xf32, #tpu.memory_space<vmem>>, vector<1x10000x128xf32>
    %get3A_8 = vector.shape_cast %get3A_7 : vector<1x10000x128xf32> to vector<10000x128xf32>
    %add3A = arith.addf %get3A_3, %get3A_8 : vector<10000x128xf32>
    %convert_element_type3A = arith.truncf %add3A : vector<10000x128xf32> to vector<10000x128xbf16>
    %get3A_9 = arith.constant 0 : index
    %get3A_10 = arith.constant 0 : index
    %get3A_11 = vector.load %arg1[%get3A_9, %get3A_10] : memref<128x128xf32, #tpu.memory_space<vmem>>, vector<128x128xf32>
    %convert_element_type3A_12 = arith.truncf %get3A_11 : vector<128x128xf32> to vector<128x128xbf16>
    %get3A_13 = arith.constant 0 : index
    %get3A_14 = arith.constant 0 : index
    %get3A_15 = vector.load %arg2[%get3A_13, %get3A_14] : memref<128x128xf32, #tpu.memory_space<vmem>>, vector<128x128xf32>
    %convert_element_type3A_16 = arith.truncf %get3A_15 : vector<128x128xf32> to vector<128x128xbf16>
    %dot_general3A = arith.constant dense<0.000000e+00> : vector<128x128xf32>
    %dot_general3A_17 = tpu.matmul %convert_element_type3A_12, %convert_element_type3A_16, %dot_general3A {dimension_numbers = #tpu.dot_dimension_numbers<[1], [0], [0], [1], [0, 0, 1, 1], [], []>, transpose_lhs_hint = false} : vector<128x128xbf16>, vector<128x128xbf16>, vector<128x128xf32> -> vector<128x128xf32>
    %convert_element_type3A_18 = arith.truncf %dot_general3A_17 : vector<128x128xf32> to vector<128x128xbf16>
    %dot_general3A_19 = arith.constant dense<0.000000e+00> : vector<10000x128xf32>
    %dot_general3A_20 = tpu.matmul %convert_element_type3A, %convert_element_type3A_18, %dot_general3A_19 {dimension_numbers = #tpu.dot_dimension_numbers<[1], [0], [0], [1], [0, 0, 1, 1], [], []>, transpose_lhs_hint = false} : vector<10000x128xbf16>, vector<128x128xbf16>, vector<10000x128xf32> -> vector<10000x128xf32>
    %max3A = arith.constant 0.000000e+00 : f32
    %max3A_21 = vector.broadcast %max3A : f32 to vector<10000x128xf32>
    %max3A_22 = arith.maximumf %dot_general3A_20, %max3A_21 : vector<10000x128xf32>
    %convert_element_type3A_23 = arith.truncf %max3A_22 : vector<10000x128xf32> to vector<10000x128xbf16>
    %get3A_24 = arith.constant 0 : index
    %get3A_25 = arith.constant 0 : index
    %get3A_26 = vector.load %arg3[%get3A_24, %get3A_25] : memref<128x64xf32, #tpu.memory_space<vmem>>, vector<128x64xf32>
    %convert_element_type3A_27 = arith.truncf %get3A_26 : vector<128x64xf32> to vector<128x64xbf16>
    %dot_general3A_28 = arith.constant dense<0.000000e+00> : vector<10000x64xf32>
    %dot_general3A_29 = tpu.matmul %convert_element_type3A_23, %convert_element_type3A_27, %dot_general3A_28 {dimension_numbers = #tpu.dot_dimension_numbers<[1], [0], [0], [1], [0, 0, 1, 1], [], []>, transpose_lhs_hint = false} : vector<10000x128xbf16>, vector<128x64xbf16>, vector<10000x64xf32> -> vector<10000x64xf32>
    %swap3A = arith.constant 0 : index
    %swap3A_30 = arith.constant 0 : index
    %swap3A_31 = vector.load %arg4[%swap3A, %swap3A_30] : memref<10000x64xf32, #tpu.memory_space<vmem>>, vector<10000x64xf32>
    tpu.vector_store %arg4[%swap3A, %swap3A_30], %dot_general3A_29 {strides = array<i32>} : memref<10000x64xf32, #tpu.memory_space<vmem>>, vector<10000x64xf32>,
    return
  }
}

module attributes {stable_mosaic.version = 14 : i64} {
  func.func @_embed_body(%arg0: i32, %arg1: memref<6400x128xf32, #tpu.memory_space<vmem>>, %arg2: memref<6400x1xf32, #tpu.memory_space<vmem>>, %arg3: memref<128x128xf32, #tpu.memory_space<vmem>>, %arg4: memref<6400x128xf32, #tpu.memory_space<vmem>>) attributes {dimension_semantics = [#tpu.dimension_semantics<parallel>], iteration_bounds = array<i64: 50>, scalar_prefetch = 0 : i64, scratch_operands = 0 : i64, tpu.core_type = #tpu.core_type<tc>, window_params = [{transform_indices = @transform_0, window_bounds = array<i64: 6400, 128>}, {transform_indices = @transform_1, window_bounds = array<i64: 6400, 1>}, {pipeline_mode = #tpu.pipeline_mode<synchronous>, transform_indices = @transform_2, window_bounds = array<i64: 128, 128>}, {transform_indices = @transform_3, window_bounds = array<i64: 6400, 128>}]} {
    %get3A = arith.constant 0 : index
    %get3A_0 = arith.constant 0 : index
    %get3A_1 = vector.load %arg1[%get3A, %get3A_0] : memref<6400x128xf32, #tpu.memory_space<vmem>>, vector<6400x128xf32>
    %convert_element_type3A = arith.truncf %get3A_1 : vector<6400x128xf32> to vector<6400x128xbf16>
    %get3A_2 = arith.constant 0 : index
    %get3A_3 = arith.constant 0 : index
    %get3A_4 = vector.load %arg3[%get3A_2, %get3A_3] : memref<128x128xf32, #tpu.memory_space<vmem>>, vector<128x128xf32>
    %convert_element_type3A_5 = arith.truncf %get3A_4 : vector<128x128xf32> to vector<128x128xbf16>
    %dot_general3A = arith.constant dense<0.000000e+00> : vector<6400x128xf32>
    %dot_general3A_6 = tpu.matmul %convert_element_type3A, %convert_element_type3A_5, %dot_general3A {dimension_numbers = #tpu.dot_dimension_numbers<[1], [0], [0], [1], [0, 0, 1, 1], [], []>, transpose_lhs_hint = false} : vector<6400x128xbf16>, vector<128x128xbf16>, vector<6400x128xf32> -> vector<6400x128xf32>
    %max3A = arith.constant 0.000000e+00 : f32
    %max3A_7 = vector.broadcast %max3A : f32 to vector<6400x128xf32>
    %max3A_8 = arith.maximumf %dot_general3A_6, %max3A_7 : vector<6400x128xf32>
    %get3A_9 = arith.constant 0 : index
    %get3A_10 = arith.constant 0 : index
    %get3A_11 = vector.load %arg2[%get3A_9, %get3A_10] : memref<6400x1xf32, #tpu.memory_space<vmem>>, vector<6400x1xf32>
    %mul3A = vector.broadcast %get3A_11 : vector<6400x1xf32> to vector<6400x128xf32>
    %mul3A_12 = arith.mulf %max3A_8, %mul3A : vector<6400x128xf32>
    %swap3A = arith.constant 0 : index
    %swap3A_13 = arith.constant 0 : index
    %swap3A_14 = vector.load %arg4[%swap3A, %swap3A_13] : memref<6400x128xf32, #tpu.memory_space<vmem>>, vector<6400x128xf32>
    tpu.vector_store %arg4[%swap3A, %swap3A_13], %mul3A_12 {strides = array<i32>} : memref<6400x128xf32, #tpu.memory_space<vmem>>, vector<6400x128xf32>,
    return
  }
  func.func @transform_0(%arg0: i32) -> (i32, i32) {
    %c0_i32 = arith.constant 0 : i32
    %c0_i32_0 = arith.constant 0 : i32
    return %arg0, %c0_i32 : i32, i32
  }
  func.func @transform_1(%arg0: i32) -> (i32, i32) {
    %c0_i32 = arith.constant 0 : i32
    %c0_i32_0 = arith.constant 0 : i32
    return %arg0, %c0_i32 : i32, i32
  }
  func.func @transform_2(%arg0: i32) -> (i32, i32) {
    %c0_i32 = arith.constant 0 : i32
    %c0_i32_0 = arith.constant 0 : i32
    %c0_i32_1 = arith.constant 0 : i32
    return %c0_i32, %c0_i32_0 : i32, i32
  }
  func.func @transform_3(%arg0: i32) -> (i32, i32) {
    %c0_i32 = arith.constant 0 : i32
    %c0_i32_0 = arith.constant 0 : i32
    return %arg0, %c0_i32 : i32, i32
  }
}

</mosaic_0001>

<sc_bundles>
// kernel: kernel.5.cloned.1.call-start
scs
__scs_entry_jumppad:
0x0: {  	(pc) =	sbr.rel $0x88, $3  }
0x1: {  	(tag) =	ssettag $0x0;
	lr =	simm.s32 $0x1  }
0x2: {  	[smem:$0x3F9A] =	sst lr;
	_ =	strace $0xD0000000  }
0x3: {  	_ = 	snop  }
0x4: {  	_ = 	snop  }
0x5: {  	_ = 	snop  }
0x6: {  	_ = 	snop  }
0x7: {  	_ = 	snop  }
__scs_overlays_trampoline_lowered:
0x8: {  	[smem:$0x3FA9] =	sst s0  }
0x9: {  	[smem:$0x3FAA] =	sst s1  }
0xa: {  	[smem:$0x3FAB] =	sst s2  }
0xb: {  	[smem:$0x3FAC] =	sst s3  }
0xc: {  	[smem:$0x3FAD] =	sst s4  }
0xd: {  	[smem:$0x3FAE] =	sst s5  }
0xe: {  	[smem:$0x3FAF] =	sst s6  }
0xf: {  	[smem:$0x3FB0] =	sst s7  }
0x10: {  	[smem:$0x3FB1] =	sst s8  }
0x11: {  	[smem:$0x3FB2] =	sst s9;
	s0 =	simm.s32 @!p0 $0x0  }
0x12: {  	s1 =	sld [smem:$0x3F98];
	s0 =	simm.s32 @p0 $0x1  }
0x13: {  	[smem:$0x3FB3] =	sst s0;
	s0 =	simm.s32 @!p1 $0x0  }
0x14: {  	s2 =	sld [smem:$0x3F97];
	s0 =	simm.s32 @p1 $0x1  }
0x15: {  	[smem:$0x3FB4] =	sst s0;
	s0 =	simm.s32 @!p2 $0x0  }
0x16: {  	s3 =	sld [smem:$0x3FDB];
	s0 =	simm.s32 @p2 $0x1  }
0x17: {  	s4 =	simm.s32 $0x1BF5;
	[smem:$0x3FB6] =	sst s0  }
0x18: {  	s0 =	sld [smem:$0x3F99];
	_ =	swait.ge [sflag:s4], $0x0  }
0x19: {  	s7 =	sld [smem:$0x3F9A]  }
0x1a: {  	s8 =	sadd.s32 $0xFFFFE003, lr  }
0x1b: {  	s9 =	sadd.s32 $0xFFFFFEF7, lr;
	s5 =	simm.s32 $0xFFFFFFFF;
	p2 =	slt.u32 s8, $0xFFFFF086  }
0x1c: {  	p1 =	slt.u32 s9, $0xF7A;
	s5 =	simm.s32 @!p2 $0x0  }
0x1d: {  	s5 =	simm.s32 @p1 $0x1;
	p0 =	seq.s32 s7, s2  }
0x1e: {  	s7 =	smul.u32 @!p0 $0xF7A, s2;
	p2 =	seq.s32 @!p0 s5, $0x0  }
0x1f: {  	s9 =	smul.u32 $0xF7A, s1;
	s8 =	simm.s32 @!p0 $0x1BF5;
	p2 =	por !p2, p0  }
0x20: {  	[sflag:s8] =	ssyncset.s32 @!p0 $0xFFFFF086;
	s6 =	sadd.s32 @!p0 s3, s7;
	s7 =	simm.s32 @!p0 $0x108  }
0x21: {  	s3 =	sadd.s32 s3, s9;
	s6 =	sadd.s32 @!p0 $0x88, s6;
	s7 =	simm.s32 @p2 $0x1082  }
0x22: {  	[simem:s7], [sflag:s8] =	dma.local @!p0 [hbm:s6], $0xF7A  }
0x23: {  	s9 =	sor.u32 $0xD0000000, s2;
	s6 =	simm.s32 $0x108;
	_ =	swait.ge @!p0 [sflag:s8], $0x0  }
0x24: {  	s3 =	sadd.s32 $0x88, s3;
	s6 =	simm.s32 @!p1 $0x1082;
	[sflag:s4] =	ssyncset.s32 $0xFFFFF086  }
0x25: {  	[simem:s6], [sflag:s4] =	dma.local [hbm:s3], $0xF7A  }
0x26: {  	[smem:$0x3F9A] =	sst s1;
	(tag) =	ssettag s2;
	_ =	strace s9  }
0x27: {  	s1 =	sld [smem:$0x3FAA]  }
0x28: {  	s2 =	sld [smem:$0x3FAB]  }
0x29: {  	s4 =	sld [smem:$0x3FAD]  }
0x2a: {  	p0 =	seq.s32 s5, $0x0;
	s5 =	sld [smem:$0x3FAE]  }
0x2b: {  	s6 =	sld [smem:$0x3FAF]  }
0x2c: {  	s7 =	sld [smem:$0x3FB0]  }
0x2d: {  	s3 =	simm.s32 $0x108;
	s8 =	sld [smem:$0x3FB1]  }
0x2e: {  	s3 =	simm.s32 @!p0 $0x1082;
	s9 =	sld [smem:$0x3FB2]  }
0x2f: {  	lr =	sadd.s32 s0, s3;
	s0 =	sld [smem:$0x3FA9]  }
0x30: {  	s3 =	sld [smem:$0x3FAC]  }
0x31: {  	[smem:$0x3FB5] =	sst s10  }
0x32: {  	s10 =	sld [smem:$0x3FB3];
	_ =	sdelay $0x3  }
0x33: {  	p0 =	seq.s32 s10, $0x1;
	s10 =	sld [smem:$0x3FB5];
	_ =	sdelay $0x3  }
0x34: {  	[smem:$0x3FB5] =	sst s10  }
0x35: {  	s10 =	sld [smem:$0x3FB4];
	_ =	sdelay $0x3  }
0x36: {  	p1 =	seq.s32 s10, $0x1;
	s10 =	sld [smem:$0x3FB5];
	_ =	sdelay $0x3  }
0x37: {  	[smem:$0x3FB5] =	sst s10  }
0x38: {  	s10 =	sld [smem:$0x3FB6]  }
0x39: {  	_ = 	snop;
	(pc) =	sbr.ind lr, $3  }
0x3a: {  	_ = 	snop  }
0x3b: {  	_ = 	snop  }
0x3c: {  	p2 =	seq.s32 s10, $0x1;
	s10 =	sld [smem:$0x3FB5]  }
0x3d: {  	_ =	shalt  }
0x3e: {  	_ =	shalt  }
0x3f: {  	_ =	shalt  }
0x40: {  	_ =	shalt  }
0x41: {  	_ =	shalt  }
0x42: {  	_ =	shalt  }
0x43: {  	_ =	shalt  }
0x44: {  	_ =	shalt  }
0x45: {  	_ =	shalt  }
0x46: {  	_ =	shalt  }
0x47: {  	_ =	shalt  }
0x48: {  	_ =	shalt  }
0x49: {  	_ =	shalt  }
0x4a: {  	_ =	shalt  }
0x4b: {  	_ =	shalt  }
0x4c: {  	_ =	shalt  }
0x4d: {  	_ =	shalt  }
0x4e: {  	_ =	shalt  }
0x4f: {  	_ =	shalt  }
0x50: {  	_ =	shalt  }
0x51: {  	_ =	shalt  }
0x52: {  	_ =	shalt  }
0x53: {  	_ =	shalt  }
0x54: {  	_ =	shalt  }
0x55: {  	_ =	shalt  }
0x56: {  	_ =	shalt  }
0x57: {  	_ =	shalt  }
0x58: {  	_ =	shalt  }
0x59: {  	_ =	shalt  }
0x5a: {  	_ =	shalt  }
0x5b: {  	_ =	shalt  }
0x5c: {  	_ =	shalt  }
0x5d: {  	_ =	shalt  }
0x5e: {  	_ =	shalt  }
0x5f: {  	_ =	shalt  }
0x60: {  	_ =	shalt  }
0x61: {  	_ =	shalt  }
0x62: {  	_ =	shalt  }
0x63: {  	_ =	shalt  }
0x64: {  	_ =	shalt  }
0x65: {  	_ =	shalt  }
0x66: {  	_ =	shalt  }
0x67: {  	_ =	shalt  }
0x68: {  	_ =	shalt  }
0x69: {  	_ =	shalt  }
0x6a: {  	_ =	shalt  }
0x6b: {  	_ =	shalt  }
0x6c: {  	_ =	shalt  }
0x6d: {  	_ =	shalt  }
0x6e: {  	_ =	shalt  }
0x6f: {  	_ =	shalt  }
0x70: {  	_ =	shalt  }
0x71: {  	_ =	shalt  }
0x72: {  	_ =	shalt  }
0x73: {  	_ =	shalt  }
0x74: {  	_ =	shalt  }
0x75: {  	_ =	shalt  }
0x76: {  	_ =	shalt  }
0x77: {  	_ =	shalt  }
0x78: {  	_ =	shalt  }
0x79: {  	_ =	shalt  }
0x7a: {  	_ =	shalt  }
0x7b: {  	_ =	shalt  }
0x7c: {  	_ =	shalt  }
0x7d: {  	_ =	shalt  }
0x7e: {  	_ =	shalt  }
0x7f: {  	_ =	shalt  }
0x80: {  	_ =	shalt  }
0x81: {  	_ =	shalt  }
0x82: {  	_ =	shalt  }
0x83: {  	_ =	shalt  }
0x84: {  	_ =	shalt  }
0x85: {  	_ =	shalt  }
0x86: {  	_ =	shalt  }
0x87: {  	_ =	shalt  }
.Lfunc_end0:
.L_simem_size_0:
called_computation_lowered:
.L_overlay_start_0:
0x88: {  	s2 =	sld [smem:$0x3FD9]  }
0x89: {  	s3 =	sld [smem:$0x3FFE];
	_ =	sdelay $0x1  }
0x8a: {  	s1 =	srdreg.scid  }
0x8b: {  	s0 =	sand.u32 $0x1, s1  }
0x8c: {  	s17 =	sshll.u32 s0, $0xA;
	s2 =	sadd.s32 s3, s2  }
0x8d: {  	s2 =	sadd.s32 s2, s17  }
0x8e: {  	[smem:$0x3FC1] =	sst s2  }
0x8f: {  	_ = 	snop  }
0x90: {  	s2 =	sld [smem:$0x3FC7];
	(tm) =	ssettm $0x1  }
0x91: {  	s18 =	sld [smem:$0x3FFB];
	_ =	sdelay $0x3  }
0x92: {  	_ =	strace s18  }
0x93: {  	s3 =	sld [smem:$0x3FFC];
	_ =	sdelay $0x3  }
0x94: {  	_ =	strace s3  }
0x95: {  	s3 =	sld [smem:$0x3FFD];
	_ =	sdelay $0x3  }
0x96: {  	_ =	strace s3  }
0x97: {  	_ =	strace $0x8FFFFFFF  }
0x98: {  	s19 =	sld [smem:$0x3FDB];
	_ =	sdelay $0x1  }
0x99: {  	s4 =	simm.s32 $_scs_section_size  }
0x9a: {  	s5 =	simm.s32 $_size__tile_overlayer_lowered;
	s6 =	simm.s32 $_tile_overlayer_lowered  }
0x9b: {  	s22 =	simm.s32 $0x1BFF;
	s21 =	sshll.u32 s6, $0x1;
	s3 =	sadd.s32 s4, s19  }
0x9c: {  	s7 =	simm.s32 $0x0;
	s20 =	sshll.u32 s5, $0x1;
	s5 =	sadd.s32 s21, s3  }
0x9d: {  	[timem:s7], [sflag:s22] =	dma.local [hbm:s5], s20  }
0x9e: {  	_ =	swait.ge [sflag:s22], s20  }
0x9f: {  	s4 =	ssub.s32 $0x0, s20;
	[sflag:s22] =	ssyncset.done $0x0  }
0xa0: {  	[sflag:s22] =	ssyncadd.s32 s4;
	_ =	sdelay $0x1  }
0xa1: {  	s23 =	simm.s32 $0x1B8B  }
0xa2: {  	_ =	swait.ge [sflag:s23], $0x1  }
0xa3: {  	[sflag:s23] =	ssyncset.done $0x0  }
0xa4: {  	s25 =	simm.s32 $0x1B8E;
	s24 =	sld [smem:$0x3FFE];
	[sflag:s23] =	ssyncadd.s32 $0xFFFFFFFF  }
0xa5: {  	s26 =	simm.s32 $execute0_lowered;
	[smem:$0x3FD2] =	sst s25  }
0xa6: {  	s5 =	sshll.u32 s26, $0x1;
	_ =	strace $0x80000046;
	[dreg:$0x1] =	wrdreg $0xFFFFFFFF  }
0xa7: {  	s28 =	simm.s32 $_size_execute0_lowered;
	s3 =	sadd.s32 s3, s5;
	[dreg:$0x0] =	wrdreg $0x0  }
0xa8: {  	s5 =	sshll.u32 s28, $0x1;
	[dreg:$0x2] =	wrdreg s3  }
0xa9: {  	[dreg:$0x3] =	wrdreg s5  }
0xaa: {  	[dreg:$0x4] =	wrdreg $0xC0  }
0xab: {  	_ =	task [dreg:s7], $0x5FFFF  }
0xac: {  	[dreg:$0x1] =	wrdreg $0xFFFFFFFF  }
0xad: {  	[dreg:$0x0] =	wrdreg $0x60  }
0xae: {  	[dreg:$0x2] =	wrdreg s24  }
0xaf: {  	[dreg:$0x3] =	wrdreg s2  }
0xb0: {  	[dreg:$0x4] =	wrdreg $0x28800  }
0xb1: {  	[dreg:$0x5] =	wrdreg $0x9  }
0xb2: {  	_ =	task.clear_ibuf [dreg:s7], $0x6FFFF;
	_ =	strace $0x90000046  }
0xb3: {  	s29 =	simm.s32 $0x9;
	_ =	strace $0x80000048  }
0xb4: {  	_ =	swait.ge [sflag:s29], $0x1  }
0xb5: {  	[sflag:s29] =	ssyncadd.s32 $0xFFFFFFFF  }
0xb6: {  	_ =	strace $0x90000048  }
0xb7: {  	_ =	sfence  }
0xb8: {  	s30 =	sld [smem:$0x0];
	_ =	sdelay $0x2  }
0xb9: {  	s31 =	sshll.u32 s1, $0xD;
	s1 =	sshrl.u32 s1, $0x2  }
0xba: {  	s3 =	sand.u32 $0x4000, s31;
	s1 =	sadd.s32 s1, s30  }
0xbb: {  	s0 =	sor.u32 s3, s0;
	s1 =	sshll.u32 s1, $0x11  }
0xbc: {  	s0 =	sor.u32 s1, s0  }
0xbd: {  	s0 =	sadd.s32 $0x8F2B, s0  }
0xbe: {  	[sflag:s0] =	ssyncadd.remote.s32 $0x1  }
0xbf: {  	_ =	sfence.sel $0xFFFF  }
0xc0: {  	[dreg:$0x0] =	wrdreg $0xFFFFFFFF;
	(pc) =	sbr.abs _section_cstart, $3  }
0xc1: {  	[dreg:$0x1] =	wrdreg $0xFFFFFFFF  }
0xc2: {  	_ =	task.clear_ibuf [dreg:s7], $0x2FFFF;
	_ =	strace $0x9FFFFFFF  }
0xc3: {  	(tm) =	ssettm $0x7FFFFFFF  }
tec
execute0_lowered:
.L_overlay_start_1:
0x0: {  	(tag) =	ssettag $0x1  }
0x1: {  	s3 =	srdreg.scid  }
0x2: {  	s10 =	sand.u32 $0x1, s3  }
0x3: {  	s3 =	stileid.u32;
	s5 =	smul.u32 $0x271000, s10  }
0x4: {  	s12 =	smul.u32 $0x280, s3  }
0x5: {  	s4 =	rddreg [dreg:$0x0];
	s6 =	smul.u32 $0x50000, s3  }
0x6: {  	s23 =	rddreg [dreg:$0x1];
	s18 =	smul.u32 $0x14000, s3  }
0x7: {  	s1 =	rddreg [dreg:$0x2];
	s2 =	simm.s32 $0x0;
	s19 =	smul.u32 $0x27100, s3  }
0x8: {  	[smem:$0x7FF] =	sst s2;
	s24 =	smul.u32 $0x27100, s10  }
0x9: {  	_ =	strace $0x80000047;
	s9 =	ssub.s32 $0x2, s10;
	s25 =	smul.u32 $0x2710, s3  }
0xa: {  	p0 =	seq.s32 s3, $0xF;
	s7 =	sshrl.u32 s9, $0x1;
	s13 =	sadd.s32 s5, s4  }
0xb: {  	s4 =	sadd.s32 $0xE00, s4;
	s14 =	sshll.u32 s12, $0x7;
	s21 =	ssub.s32 s9, s7  }
0xc: {  	s11 =	sshrl.u32 s6, $0x2;
	s7 =	smul.u32 $0x138800, s10;
	s26 =	sadd.s32 $0x230, s12  }
0xd: {  	s24 =	sadd.s32 s25, s24;
	s15 =	sor.u32 $0x2800, s14;
	s5 =	sadd.s32 s11, s1  }
0xe: {  	s16 =	sadd.s32 $0x5000, s14;
	s17 =	sadd.s32 $0x7800, s14;
	s20 =	sadd.s32 $0xA000, s14  }
0xf: {  	s22 =	sadd.s32 $0xC800, s14;
	s28 =	sadd.s32 $0xF000, s14;
	s29 =	sadd.s32 s19, s13  }
0x10: {  	s14 =	sshll.u32 s26, $0x7;
	s21 =	smax.u32 s21, $0x1;
	s24 =	sshrl.u32 s24, $0x3  }
0x11: {  	s26 =	simm.s32 @p0 $0x27B0;
	s6 =	sadd.s32 s15, s1;
	s8 =	sadd.s32 s16, s1  }
0x12: {  	s9 =	sadd.s32 s17, s1;
	s10 =	sadd.s32 s20, s1;
	s11 =	sadd.s32 s22, s1  }
0x13: {  	s19 =	sadd.s32 s18, s7;
	s12 =	sadd.s32 s28, s1;
	s13 =	sadd.s32 s14, s1  }
0x14: {  	s15 =	sadd.s32 s7, s15;
	s16 =	sadd.s32 s7, s16;
	s17 =	sadd.s32 s7, s17  }
0x15: {  	s25 =	sadd.s32 s7, s20;
	s30 =	sadd.s32 s7, s22;
	s31 =	sadd.s32 s7, s28  }
0x16: {  	s22 =	sadd.s32 $0x4E2E00, s29;
	s23 =	sadd.s32 s24, s23;
	s24 =	simm.s32 $0x1  }
0x17: {  	s28 =	simm.s32 $0x50;
	s29 =	simm.s32 $0x0;
	s14 =	sshrl.u32 s19, $0x3  }
0x18: {  	s15 =	sshrl.u32 s15, $0x3;
	s16 =	sshrl.u32 s16, $0x3;
	s17 =	sshrl.u32 s17, $0x3  }
0x19: {  	s18 =	sshrl.u32 s25, $0x3;
	s19 =	sshrl.u32 s30, $0x3;
	s20 =	sshrl.u32 s31, $0x3  }
0x1a: {  	s25 =	sshll.u32 @!p0 s26, $0x7;
	s26 =	simm.s32 $0x2800;
	s14 =	sadd.s32 s4, s14  }
0x1b: {  	s15 =	sadd.s32 s4, s15;
	s16 =	sadd.s32 s4, s16;
	s17 =	sadd.s32 s4, s17  }
0x1c: {  	v0 =	vimm.f32 $0.0e+00;
	s18 =	sadd.s32 s4, s18;
	s19 =	sadd.s32 s4, s19;
	s20 =	sadd.s32 s4, s20  }
.LBB2_1:
0x1d: {  	s30 =	simm.s32 $0x70;
	s31 =	simm.s32 $0x3C0  }
.LBB2_2:
0x1e: {  	p1 =	sne.s32 s31, $0x9FC0;
	[tilespmem:s30+$0x0] =	vst v0  }
0x1f: {  	[tilespmem:s30+$0xFFFFFF90] =	vst v0  }
0x20: {  	[tilespmem:s30+$0xFFFFFFA0] =	vst v0  }
.Ltmp0:
0x21: {  	[tilespmem:s30+$0xFFFFFFB0] =	vst v0;
	(pc) =	sbr.rel @p1 .LBB2_2-.Ltmp0, $4  }
0x22: {  	[tilespmem:s30+$0xFFFFFFC0] =	vst v0  }
0x23: {  	[tilespmem:s30+$0xFFFFFFD0] =	vst v0  }
0x24: {  	[tilespmem:s30+$0xFFFFFFE0] =	vst v0  }
0x25: {  	[tilespmem:s30+$0xFFFFFFF0] =	vst v0;
	s30 =	sshra.s32 s31, $0x2;
	s31 =	sadd.s32 $0x200, s31  }
0x26: {  	[tilespmem:s30+$0x0] =	vst v0  }
0x27: {  	[tilespmem:s30+$0xFFFFFF90] =	vst v0  }
0x28: {  	[tilespmem:s30+$0xFFFFFFA0] =	vst v0  }
0x29: {  	[tilespmem:s30+$0xFFFFFFB0] =	vst v0  }
0x2a: {  	[tilespmem:s30+$0xFFFFFFC0] =	vst v0  }
0x2b: {  	[tilespmem:s30+$0xFFFFFFD0] =	vst v0  }
0x2c: {  	[tilespmem:s30+$0xFFFFFFE0] =	vst v0  }
0x2d: {  	[tilespmem:s30+$0xFFFFFFF0] =	vst v0  }
0x2e: {  	[spmem:s5] =	stream.linear.scatter [tilespmem:s2], [sflag:$0x1], $0x2800, $0x38;
	[tilespmem:$0x16100] =	vst v63  }
0x2f: {  	_ =	swait.ge [sflag:s24], $0x2800  }
0x30: {  	[sflag:s24] =	ssyncset.done $0x0  }
0x31: {  	[sflag:s24] =	ssyncadd.s32 $0xFFFFD800  }
0x32: {  	[spmem:s6] =	stream.linear.scatter [tilespmem:s2], [sflag:$0x1], $0x2800, $0x38;
	[tilespmem:$0x16100] =	vst v63  }
0x33: {  	_ =	swait.ge [sflag:s24], $0x2800  }
0x34: {  	[sflag:s24] =	ssyncset.done $0x0  }
0x35: {  	[sflag:s24] =	ssyncadd.s32 $0xFFFFD800  }
0x36: {  	[spmem:s8] =	stream.linear.scatter [tilespmem:s2], [sflag:$0x1], $0x2800, $0x38;
	[tilespmem:$0x16100] =	vst v63  }
0x37: {  	_ =	swait.ge [sflag:s24], $0x2800  }
0x38: {  	[sflag:s24] =	ssyncset.done $0x0  }
0x39: {  	[sflag:s24] =	ssyncadd.s32 $0xFFFFD800  }
0x3a: {  	[spmem:s9] =	stream.linear.scatter [tilespmem:s2], [sflag:$0x1], $0x2800, $0x38;
	[tilespmem:$0x16100] =	vst v63  }
0x3b: {  	_ =	swait.ge [sflag:s24], $0x2800  }
0x3c: {  	[sflag:s24] =	ssyncset.done $0x0  }
0x3d: {  	[sflag:s24] =	ssyncadd.s32 $0xFFFFD800  }
0x3e: {  	[spmem:s10] =	stream.linear.scatter [tilespmem:s2], [sflag:$0x1], $0x2800, $0x38;
	[tilespmem:$0x16100] =	vst v63  }
0x3f: {  	_ =	swait.ge [sflag:s24], $0x2800  }
0x40: {  	[sflag:s24] =	ssyncset.done $0x0  }
0x41: {  	s30 =	simm.s32 @!p0 $0x0;
	s31 =	simm.s32 @!p0 $0x1;
	[sflag:s24] =	ssyncadd.s32 $0xFFFFD800  }
0x42: {  	[spmem:s11] =	stream.linear.scatter @!p0 [tilespmem:s30], [sflag:$0x1], $0x2800, $0x38;
	[tilespmem:$0x16100] =	vst v63  }
0x43: {  	_ =	swait.ge @!p0 [sflag:s31], $0x2800  }
0x44: {  	[sflag:s31] =	ssyncset.done @!p0 $0x0  }
0x45: {  	[sflag:s31] =	ssyncadd.s32 @!p0 $0xFFFFD800  }
0x46: {  	[spmem:s12] =	stream.linear.scatter @!p0 [tilespmem:s30], [sflag:$0x1], $0x2800, $0x38;
	[tilespmem:$0x16100] =	vst v63  }
0x47: {  	_ =	swait.ge @!p0 [sflag:s31], $0x2800  }
0x48: {  	[sflag:s31] =	ssyncset.done @!p0 $0x0  }
0x49: {  	[sflag:s31] =	ssyncadd.s32 @!p0 $0xFFFFD800  }
0x4a: {  	[spmem:s13] =	stream.linear.scatter @!p0 [tilespmem:s30], [sflag:$0x1], $0x2800, $0x38;
	[tilespmem:$0x16100] =	vst v63  }
0x4b: {  	_ =	swait.ge @!p0 [sflag:s31], $0x2800  }
0x4c: {  	[sflag:s31] =	ssyncset.done @!p0 $0x0  }
0x4d: {  	[sflag:s31] =	ssyncadd.s32 @!p0 $0xFFFFD800  }
0x4e: {  	[bflag:$0x0] =	sbarrier.arrive $0xFFFF  }
0x4f: {  	[tilespmem:s2], [sflag:$0x1] =	stream.linear.gather [hbm4b:s22+s2], $0x2800, $0x38;
	[tilespmem:$0x16100] =	vst v63  }
0x50: {  	_ =	swait.ge [sflag:s24], $0x2800  }
0x51: {  	[sflag:s24] =	ssyncset.done $0x0  }
0x52: {  	s30 =	sadd.s32 $0x0, s23;
	[sflag:s24] =	ssyncadd.s32 $0xFFFFD800  }
0x53: {  	[tilespmem:s26], [sflag:$0x1] =	stream.linear.gather [hbm4b:s30+s2], $0x50, $0x38;
	[tilespmem:$0x16100] =	vst v63  }
0x54: {  	_ =	swait.ge [sflag:s24], $0x50  }
0x55: {  	[sflag:s24] =	ssyncset.done $0x0  }
0x56: {  	[sflag:s24] =	ssyncadd.s32 $0xFFFFFFB0  }
0x57: {  	[spmem:s1] =	stream.indirect.scatter.add.f32 [tilespmem:s2], [sflag:$0x1], $0x80, s26, s28, $0xb8;
	[tilespmem:$0x16100] =	vst v63  }
0x58: {  	_ =	swait.ge [sflag:s24], $0x2800  }
0x59: {  	s31 =	smov.u32 s22;
	s30 =	simm.s32 $0xA;
	[sflag:s24] =	ssyncset.done $0x0  }
.LBB2_4:
0x5a: {  	p1 =	sne.s32 s30, $0x4D8;
	[sflag:s24] =	ssyncadd.s32 $0xFFFFD800;
	s31 =	sadd.s32 $0x500, s31  }
0x5b: {  	[tilespmem:s2], [sflag:$0x1] =	stream.linear.gather [hbm4b:s31+s2], $0x2800, $0x38;
	[tilespmem:$0x16100] =	vst v63  }
0x5c: {  	s0 =	smov.u32 s30;
	s30 =	sadd.s32 $0xA, s30;
	_ =	swait.ge [sflag:s24], $0x2800  }
0x5d: {  	[sflag:s24] =	ssyncset.done $0x0  }
0x5e: {  	s0 =	sadd.s32 s0, s23;
	[sflag:s24] =	ssyncadd.s32 $0xFFFFD800  }
0x5f: {  	[tilespmem:s26], [sflag:$0x1] =	stream.linear.gather [hbm4b:s0+s2], $0x50, $0x38;
	[tilespmem:$0x16100] =	vst v63  }
0x60: {  	_ =	swait.ge [sflag:s24], $0x50  }
.Ltmp1:
0x61: {  	[sflag:s24] =	ssyncset.done $0x0;
	(pc) =	sbr.rel @p1 .LBB2_4-.Ltmp1, $4  }
0x62: {  	[sflag:s24] =	ssyncadd.s32 $0xFFFFFFB0  }
0x63: {  	[spmem:s1] =	stream.indirect.scatter.add.f32 [tilespmem:s2], [sflag:$0x1], $0x80, s26, s28, $0xb8;
	[tilespmem:$0x16100] =	vst v63  }
0x64: {  	_ =	swait.ge [sflag:s24], $0x2800  }
0x65: {  	[sflag:s24] =	ssyncset.done $0x0  }
0x66: {  	[sflag:s24] =	ssyncadd.s32 $0xFFFFD800  }
0x67: {  	[bflag:$0x0] =	sbarrier.arrive $0xFFFF  }
0x68: {  	[tilespmem:s2], [sflag:$0x1] =	stream.linear.gather [spmem:s5], $0x2800, $0x38;
	[tilespmem:$0x16100] =	vst v63  }
0x69: {  	_ =	swait.ge [sflag:s24], $0x2800  }
0x6a: {  	[sflag:s24] =	ssyncset.done $0x0  }
0x6b: {  	[sflag:s24] =	ssyncadd.s32 $0xFFFFD800  }
0x6c: {  	[hbm4b:s14+s2] =	stream.linear.scatter [tilespmem:s2], [sflag:$0x1], $0x2800, $0x38;
	[tilespmem:$0x16100] =	vst v63  }
0x6d: {  	_ =	swait.ge [sflag:s24], $0x2800  }
0x6e: {  	[sflag:s24] =	ssyncset.done $0x0  }
0x6f: {  	[sflag:s24] =	ssyncadd.s32 $0xFFFFD800  }
0x70: {  	[tilespmem:s2], [sflag:$0x1] =	stream.linear.gather [spmem:s6], $0x2800, $0x38;
	[tilespmem:$0x16100] =	vst v63  }
0x71: {  	_ =	swait.ge [sflag:s24], $0x2800  }
0x72: {  	[sflag:s24] =	ssyncset.done $0x0  }
0x73: {  	[sflag:s24] =	ssyncadd.s32 $0xFFFFD800  }
0x74: {  	[hbm4b:s15+s2] =	stream.linear.scatter [tilespmem:s2], [sflag:$0x1], $0x2800, $0x38;
	[tilespmem:$0x16100] =	vst v63  }
0x75: {  	_ =	swait.ge [sflag:s24], $0x2800  }
0x76: {  	[sflag:s24] =	ssyncset.done $0x0  }
0x77: {  	[sflag:s24] =	ssyncadd.s32 $0xFFFFD800  }
0x78: {  	[tilespmem:s2], [sflag:$0x1] =	stream.linear.gather [spmem:s8], $0x2800, $0x38;
	[tilespmem:$0x16100] =	vst v63  }
0x79: {  	_ =	swait.ge [sflag:s24], $0x2800  }
0x7a: {  	[sflag:s24] =	ssyncset.done $0x0  }
0x7b: {  	[sflag:s24] =	ssyncadd.s32 $0xFFFFD800  }
0x7c: {  	[hbm4b:s16+s2] =	stream.linear.scatter [tilespmem:s2], [sflag:$0x1], $0x2800, $0x38;
	[tilespmem:$0x16100] =	vst v63  }
0x7d: {  	_ =	swait.ge [sflag:s24], $0x2800  }
0x7e: {  	[sflag:s24] =	ssyncset.done $0x0  }
0x7f: {  	[sflag:s24] =	ssyncadd.s32 $0xFFFFD800  }
0x80: {  	[tilespmem:s2], [sflag:$0x1] =	stream.linear.gather [spmem:s9], $0x2800, $0x38;
	[tilespmem:$0x16100] =	vst v63  }
0x81: {  	_ =	swait.ge [sflag:s24], $0x2800  }
0x82: {  	[sflag:s24] =	ssyncset.done $0x0  }
0x83: {  	[sflag:s24] =	ssyncadd.s32 $0xFFFFD800  }
0x84: {  	[hbm4b:s17+s2] =	stream.linear.scatter [tilespmem:s2], [sflag:$0x1], $0x2800, $0x38;
	[tilespmem:$0x16100] =	vst v63  }
0x85: {  	_ =	swait.ge [sflag:s24], $0x2800  }
0x86: {  	[sflag:s24] =	ssyncset.done $0x0  }
0x87: {  	[sflag:s24] =	ssyncadd.s32 $0xFFFFD800  }
0x88: {  	[tilespmem:s2], [sflag:$0x1] =	stream.linear.gather [spmem:s10], $0x2800, $0x38;
	[tilespmem:$0x16100] =	vst v63  }
0x89: {  	_ =	swait.ge [sflag:s24], $0x2800  }
0x8a: {  	[sflag:s24] =	ssyncset.done $0x0  }
0x8b: {  	[sflag:s24] =	ssyncadd.s32 $0xFFFFD800  }
0x8c: {  	[hbm4b:s18+s2] =	stream.linear.scatter [tilespmem:s2], [sflag:$0x1], $0x2800, $0x38;
	[tilespmem:$0x16100] =	vst v63  }
0x8d: {  	_ =	swait.ge [sflag:s24], $0x2800  }
0x8e: {  	[sflag:s24] =	ssyncset.done $0x0  }
0x8f: {  	s0 =	simm.s32 @!p0 $0x0;
	s30 =	simm.s32 @!p0 $0x1;
	[sflag:s24] =	ssyncadd.s32 $0xFFFFD800  }
0x90: {  	[tilespmem:s0], [sflag:$0x1] =	stream.linear.gather @!p0 [spmem:s11], $0x2800, $0x38;
	[tilespmem:$0x16100] =	vst v63  }
0x91: {  	_ =	swait.ge @!p0 [sflag:s30], $0x2800  }
0x92: {  	[sflag:s30] =	ssyncset.done @!p0 $0x0  }
0x93: {  	[sflag:s30] =	ssyncadd.s32 @!p0 $0xFFFFD800  }
0x94: {  	[hbm4b:s19+s0] =	stream.linear.scatter @!p0 [tilespmem:s0], [sflag:$0x1], $0x2800, $0x38;
	[tilespmem:$0x16100] =	vst v63  }
0x95: {  	_ =	swait.ge @!p0 [sflag:s30], $0x2800  }
0x96: {  	[sflag:s30] =	ssyncset.done @!p0 $0x0  }
0x97: {  	[sflag:s30] =	ssyncadd.s32 @!p0 $0xFFFFD800  }
0x98: {  	[tilespmem:s0], [sflag:$0x1] =	stream.linear.gather @!p0 [spmem:s12], $0x2800, $0x38;
	[tilespmem:$0x16100] =	vst v63  }
0x99: {  	_ =	swait.ge @!p0 [sflag:s30], $0x2800  }
0x9a: {  	[sflag:s30] =	ssyncset.done @!p0 $0x0  }
0x9b: {  	[sflag:s30] =	ssyncadd.s32 @!p0 $0xFFFFD800  }
0x9c: {  	[hbm4b:s20+s0] =	stream.linear.scatter @!p0 [tilespmem:s0], [sflag:$0x1], $0x2800, $0x38;
	[tilespmem:$0x16100] =	vst v63  }
0x9d: {  	_ =	swait.ge @!p0 [sflag:s30], $0x2800  }
0x9e: {  	[sflag:s30] =	ssyncset.done @!p0 $0x0  }
0x9f: {  	s31 =	sadd.s32 @!p0 s25, s1;
	[sflag:s30] =	ssyncadd.s32 @!p0 $0xFFFFD800  }
0xa0: {  	[tilespmem:s0], [sflag:$0x1] =	stream.linear.gather @!p0 [spmem:s31], $0x2800, $0x38;
	[tilespmem:$0x16100] =	vst v63  }
0xa1: {  	s29 =	sadd.s32 $0x1, s29;
	s31 =	sadd.s32 @!p0 s7, s25;
	_ =	swait.ge @!p0 [sflag:s30], $0x2800  }
0xa2: {  	p1 =	sne.s32 s29, s21;
	s31 =	sshrl.u32 @!p0 s31, $0x3;
	[sflag:s30] =	ssyncset.done @!p0 $0x0  }
.Ltmp2:
0xa3: {  	s31 =	sadd.s32 @!p0 s4, s31;
	[sflag:s30] =	ssyncadd.s32 @!p0 $0xFFFFD800;
	(pc) =	sbr.rel @p1 .LBB2_1-.Ltmp2, $4  }
0xa4: {  	[hbm4b:s31+s0] =	stream.linear.scatter @!p0 [tilespmem:s0], [sflag:$0x1], $0x2800, $0x38;
	[tilespmem:$0x16100] =	vst v63  }
0xa5: {  	_ =	swait.ge @!p0 [sflag:s30], $0x2800  }
0xa6: {  	[sflag:s30] =	ssyncset.done @!p0 $0x0  }
0xa7: {  	[sflag:s30] =	ssyncadd.s32 @!p0 $0xFFFFD800  }
0xa8: {  	_ =	sfence.sel $0x180000  }
0xa9: {  	[bflag:$0x0] =	sbarrier.arrive $0xFFFF  }
0xaa: {  	_ =	strace $0x90000047  }
0xab: {  	[bflag:$0x2] =	sbarrier.arrive $0xFFFF  }
0xac: {  	p0 =	sne.s32 s3, $0x0;
	s0 =	rddreg [dreg:$0x3]  }
0xad: {  	s0 =	sadd.s32 @!p0 $0x100000, s0  }
0xae: {  	[sflag:s0] =	ssyncadd.tile.s32 @!p0 $0x1;
	_ =	shalt  }
.Lfunc_end2:
_tile_overlayer_lowered:
.L_overlay_start_2:
0xaf: {  	(tag) =	ssettag $0x2  }
0xb0: {  	s0 =	rddreg [dreg:$0x0];
	s2 =	stileid.u32  }
0xb1: {  	s1 =	rddreg [dreg:$0x1];
	p0 =	sne.s32 s2, $0x0  }
0xb2: {  	s3 =	rddreg [dreg:$0x2];
	[bflag:$0x3] =	sbarrier.arrive $0xFFFF;
	s2 =	simm.s32 @!p0 $0x1C01  }
0xb3: {  	[timem:s3], [sflag:s2] =	dma.local @!p0 [hbm:s0], s1  }
0xb4: {  	s0 =	simm.s32 @!p0 $0x1  }
0xb5: {  	_ =	swait.ge @!p0 [sflag:s0], s1  }
0xb6: {  	s1 =	ssub.s32 @!p0 $0x0, s1;
	[sflag:s0] =	ssyncset.done @!p0 $0x0  }
0xb7: {  	[sflag:s0] =	ssyncadd.s32 @!p0 s1  }
0xb8: {  	[bflag:$0x3] =	sbarrier.arrive $0xFFFF  }
0xb9: {  	_ =	shalt  }

</sc_bundles>
